<compile_context>
chip_gen: v7x
topology: tpu7x:2x2x1
jax: 0.10.2.dev20260603
libtpu: 0.0.44.dev20260713+nightly
codegen_flags: <defaults>
</compile_context>

<pallas_src>
import functools

import jax
import jax.numpy as jnp
from jax import lax
from jax.experimental import pallas as pl
from jax.experimental.pallas import tpu as pltpu
from jax.experimental.pallas import tpu_sc as plsc

C_IN = 100000
D_MODEL = 64
STAGE_MINOR = 128
BATCH = 4096
SEQ = 200
XROWS_PER_CHUNK = 4
CHUNK = XROWS_PER_CHUNK * SEQ

_info = plsc.get_sparse_core_info()
NC = _info.num_cores
NS = _info.num_subcores
NW = NC * NS
CH_PER_W = BATCH // (XROWS_PER_CHUNK * NW)
NBUF = 2


def _gather_kernel(x_hbm, w_hbm, stage_hbm, idx_v0, idx_v1, rows_v,
                   sem_idx, sem_g, sem_w):
    idx_v = (idx_v0, idx_v1)
    wid = lax.axis_index("s") * NC + lax.axis_index("c")
    base = wid * CH_PER_W

    def stage_slot(c):
        return stage_hbm.at[pl.ds(CHUNK * c, CHUNK), pl.ds(0, D_MODEL)]

    def start_idx(c, b):
        for j in range(XROWS_PER_CHUNK):
            pltpu.async_copy(
                x_hbm.at[XROWS_PER_CHUNK * c + j],
                idx_v[b].at[pl.ds(SEQ * j, SEQ)], sem_idx.at[b])

    def wait_idx(c, b):
        for j in range(XROWS_PER_CHUNK):
            pltpu.make_async_copy(
                x_hbm.at[XROWS_PER_CHUNK * c + j],
                idx_v[b].at[pl.ds(SEQ * j, SEQ)], sem_idx.at[b]).wait()

    for b in range(NBUF):
        start_idx(base + b, b)

    def super_body(s, carry):
        for b in range(NBUF):
            g = s * NBUF + b
            c = base + g
            src = rows_v.at[b]
            @pl.when(s > 0)
            def _():
                pltpu.make_async_copy(
                    src, stage_slot(c - NBUF), sem_w.at[b]).wait()
            wait_idx(c, b)
            pltpu.async_copy(w_hbm.at[idx_v[b]], rows_v.at[b],
                             sem_g.at[b]).wait()
            @pl.when(g + NBUF < CH_PER_W)
            def _():
                start_idx(c + NBUF, b)
            pltpu.async_copy(src, stage_slot(c), sem_w.at[b])
        return carry

    lax.fori_loop(0, CH_PER_W // NBUF, super_body, 0)

    for b in range(NBUF):
        c = base + CH_PER_W - NBUF + b
        pltpu.make_async_copy(rows_v.at[b], stage_slot(c), sem_w.at[b]).wait()


@jax.jit
def _embed(x, W):
    mesh = plsc.VectorSubcoreMesh(core_axis_name="c", subcore_axis_name="s")
    gather = functools.partial(
        pl.kernel,
        mesh=mesh,
        out_type=jax.ShapeDtypeStruct(
            (BATCH * SEQ, STAGE_MINOR), jnp.float32),
        scratch_types=[
            pltpu.VMEM((CHUNK,), jnp.int32),
            pltpu.VMEM((CHUNK,), jnp.int32),
            pltpu.VMEM((NBUF, CHUNK, D_MODEL), jnp.float32),
            pltpu.SemaphoreType.DMA((NBUF,)),
            pltpu.SemaphoreType.DMA((NBUF,)),
            pltpu.SemaphoreType.DMA((NBUF,)),
        ],
        compiler_params=pltpu.CompilerParams(use_tc_tiling_on_sc=False),
    )(_gather_kernel)
    stage = gather(x, W)
    return stage[:, :D_MODEL].reshape(BATCH, SEQ, D_MODEL)


def kernel(x, W):
    return _embed(x, W)

# --- scband reference (transcript-rebuilt; emitter-appended) ---
"""Pipeline reference for scband-fixed-embedding-28174985462311 (READ-ONLY COPY).

The authoritative reference and input builder live on the scoring server;
editing this copy changes nothing except your own understanding.
"""

import jax, jax.numpy as jnp
import numpy as np

C_IN = 100000
D_MODEL = 64


def _make_fixed_table():
    position = np.arange(C_IN, dtype=np.float32)[:, None]
    div_term = np.exp(np.arange(0, D_MODEL, 2, dtype=np.float32) * -(np.log(10000.0) / D_MODEL))
    w = np.zeros((C_IN, D_MODEL), dtype=np.float32)
    w[:, 0::2] = np.sin(position * div_term)
    w[:, 1::2] = np.cos(position * div_term)
    return jnp.asarray(w)


def setup_inputs(seed: int = 0) -> dict:
    key = jax.random.key(seed)
    # int32 used for indices (in-range for C_IN); avoids requiring jax x64 mode.
    x = jax.random.randint(key, (4096, 200), 0, C_IN, dtype=jnp.int32)
    W = _make_fixed_table()
    return {"x": x, "W": W}


def reference(x, W):
    # nn.Embedding lookup followed by .detach()
    out = jnp.take(W, x, axis=0)
    return jax.lax.stop_gradient(out)

if __name__ == "__main__":
    import jax
    _d = setup_inputs()
    print(jax.jit(kernel)(*tuple(_d.values())))

</pallas_src>

<mosaic_0001>
#map = affine_map<(d0, d1) -> (0, 0)>
module attributes {stable_mosaic.version = 14 : i64} {
  func.func @_gather_kernel(%arg0: i32, %arg1: i32, %arg2: memref<4096x200xi32, #tpu.memory_space<hbm>>, %arg3: memref<100000x64xf32, #tpu.memory_space<hbm>>, %arg4: memref<819200x128xf32, #tpu.memory_space<hbm>>, %arg5: memref<800xi32, #tpu.memory_space<vmem>>, %arg6: memref<800xi32, #tpu.memory_space<vmem>>, %arg7: memref<2x800x64xf32, #tpu.memory_space<vmem>>, %arg8: memref<2x!tpu.dma_semaphore, #tpu.memory_space<semaphore_mem>>, %arg9: memref<2x!tpu.dma_semaphore, #tpu.memory_space<semaphore_mem>>, %arg10: memref<2x!tpu.dma_semaphore, #tpu.memory_space<semaphore_mem>>) attributes {dimension_semantics = [#tpu.dimension_semantics<core_parallel>, #tpu.dimension_semantics<subcore_parallel>], iteration_bounds = array<i64: 2, 16>, scalar_prefetch = 0 : i64, scratch_operands = 6 : i64, tpu.core_type = #tpu.core_type<sc_vector_subcore>, window_params = [{transform_indices = #map}, {transform_indices = #map}, {transform_indices = #map}]} {
    %mul3A = arith.constant 2 : i32
    %mul3A_0 = arith.muli %arg1, %mul3A : i32
    %add3A = arith.addi %mul3A_0, %arg0 : i32
    %mul3A_1 = arith.constant 32 : i32
    %mul3A_2 = arith.muli %add3A, %mul3A_1 : i32
    %add3A_3 = arith.constant 0 : i32
    %add3A_4 = arith.addi %mul3A_2, %add3A_3 : i32
    %mul3A_5 = arith.constant 4 : i32
    %mul3A_6 = arith.muli %mul3A_5, %add3A_4 : i32
    %add3A_7 = arith.constant 0 : i32
    %add3A_8 = arith.addi %mul3A_6, %add3A_7 : i32
    %dma_start3A = arith.constant 0 : i32
    %dma_start3A_9 = arith.constant 0 : i32
    %dma_start3A_10 = tpu.memref_slice %arg5[%dma_start3A_9] : memref<800xi32, #tpu.memory_space<vmem>> -> memref<200xi32, #tpu.memory_space<vmem>>
    %dma_start3A_11 = arith.constant 0 : i32
    %dma_start3A_12 = tpu.memref_slice %arg2[%add3A_8, %dma_start3A_11] : memref<4096x200xi32, #tpu.memory_space<hbm>> -> memref<1x200xi32, #tpu.memory_space<hbm>>
    %dma_start3A_13 = tpu.memref_squeeze %dma_start3A_12 : memref<1x200xi32, #tpu.memory_space<hbm>> -> memref<200xi32, #tpu.memory_space<hbm>>
    %dma_start3A_14 = tpu.memref_slice %arg8[%dma_start3A] : memref<2x!tpu.dma_semaphore, #tpu.memory_space<semaphore_mem>> -> memref<1x!tpu.dma_semaphore, #tpu.memory_space<semaphore_mem>>
    %dma_start3A_15 = tpu.memref_squeeze %dma_start3A_14 : memref<1x!tpu.dma_semaphore, #tpu.memory_space<semaphore_mem>> -> memref<!tpu.dma_semaphore, #tpu.memory_space<semaphore_mem>>
    %dma_start3A_16 = arith.constant 0 : i32
    %dma_start3A_17 = tpu.memref_slice %arg5[%dma_start3A_16] : memref<800xi32, #tpu.memory_space<vmem>> -> memref<200xi32, #tpu.memory_space<vmem>>
    %dma_start3A_18 = arith.constant 0 : i32
    %dma_start3A_19 = tpu.memref_slice %arg2[%add3A_8, %dma_start3A_18] : memref<4096x200xi32, #tpu.memory_space<hbm>> -> memref<1x200xi32, #tpu.memory_space<hbm>>
    %dma_start3A_20 = tpu.memref_squeeze %dma_start3A_19 : memref<1x200xi32, #tpu.memory_space<hbm>> -> memref<200xi32, #tpu.memory_space<hbm>>
    tpu.enqueue_dma source(%dma_start3A_20 : memref<200xi32, #tpu.memory_space<hbm>>) target(%dma_start3A_17 : memref<200xi32, #tpu.memory_space<vmem>>) target_semaphore(%dma_start3A_15 : memref<!tpu.dma_semaphore, #tpu.memory_space<semaphore_mem>>)
    %mul3A_21 = arith.constant 4 : i32
    %mul3A_22 = arith.muli %mul3A_21, %add3A_4 : i32
    %add3A_23 = arith.constant 1 : i32
    %add3A_24 = arith.addi %mul3A_22, %add3A_23 : i32
    %dma_start3A_25 = arith.constant 0 : i32
    %dma_start3A_26 = arith.constant 200 : i32
    %dma_start3A_27 = tpu.memref_slice %arg5[%dma_start3A_26] : memref<800xi32, #tpu.memory_space<vmem>> -> memref<200xi32, #tpu.memory_space<vmem>>
    %dma_start3A_28 = arith.constant 0 : i32
    %dma_start3A_29 = tpu.memref_slice %arg2[%add3A_24, %dma_start3A_28] : memref<4096x200xi32, #tpu.memory_space<hbm>> -> memref<1x200xi32, #tpu.memory_space<hbm>>
    %dma_start3A_30 = tpu.memref_squeeze %dma_start3A_29 : memref<1x200xi32, #tpu.memory_space<hbm>> -> memref<200xi32, #tpu.memory_space<hbm>>
    %dma_start3A_31 = tpu.memref_slice %arg8[%dma_start3A_25] : memref<2x!tpu.dma_semaphore, #tpu.memory_space<semaphore_mem>> -> memref<1x!tpu.dma_semaphore, #tpu.memory_space<semaphore_mem>>
    %dma_start3A_32 = tpu.memref_squeeze %dma_start3A_31 : memref<1x!tpu.dma_semaphore, #tpu.memory_space<semaphore_mem>> -> memref<!tpu.dma_semaphore, #tpu.memory_space<semaphore_mem>>
    %dma_start3A_33 = arith.constant 200 : i32
    %dma_start3A_34 = tpu.memref_slice %arg5[%dma_start3A_33] : memref<800xi32, #tpu.memory_space<vmem>> -> memref<200xi32, #tpu.memory_space<vmem>>
    %dma_start3A_35 = arith.constant 0 : i32
    %dma_start3A_36 = tpu.memref_slice %arg2[%add3A_24, %dma_start3A_35] : memref<4096x200xi32, #tpu.memory_space<hbm>> -> memref<1x200xi32, #tpu.memory_space<hbm>>
    %dma_start3A_37 = tpu.memref_squeeze %dma_start3A_36 : memref<1x200xi32, #tpu.memory_space<hbm>> -> memref<200xi32, #tpu.memory_space<hbm>>
    tpu.enqueue_dma source(%dma_start3A_37 : memref<200xi32, #tpu.memory_space<hbm>>) target(%dma_start3A_34 : memref<200xi32, #tpu.memory_space<vmem>>) target_semaphore(%dma_start3A_32 : memref<!tpu.dma_semaphore, #tpu.memory_space<semaphore_mem>>)
    %mul3A_38 = arith.constant 4 : i32
    %mul3A_39 = arith.muli %mul3A_38, %add3A_4 : i32
    %add3A_40 = arith.constant 2 : i32
    %add3A_41 = arith.addi %mul3A_39, %add3A_40 : i32
    %dma_start3A_42 = arith.constant 0 : i32
    %dma_start3A_43 = arith.constant 400 : i32
    %dma_start3A_44 = tpu.memref_slice %arg5[%dma_start3A_43] : memref<800xi32, #tpu.memory_space<vmem>> -> memref<200xi32, #tpu.memory_space<vmem>>
    %dma_start3A_45 = arith.constant 0 : i32
    %dma_start3A_46 = tpu.memref_slice %arg2[%add3A_41, %dma_start3A_45] : memref<4096x200xi32, #tpu.memory_space<hbm>> -> memref<1x200xi32, #tpu.memory_space<hbm>>
    %dma_start3A_47 = tpu.memref_squeeze %dma_start3A_46 : memref<1x200xi32, #tpu.memory_space<hbm>> -> memref<200xi32, #tpu.memory_space<hbm>>
    %dma_start3A_48 = tpu.memref_slice %arg8[%dma_start3A_42] : memref<2x!tpu.dma_semaphore, #tpu.memory_space<semaphore_mem>> -> memref<1x!tpu.dma_semaphore, #tpu.memory_space<semaphore_mem>>
    %dma_start3A_49 = tpu.memref_squeeze %dma_start3A_48 : memref<1x!tpu.dma_semaphore, #tpu.memory_space<semaphore_mem>> -> memref<!tpu.dma_semaphore, #tpu.memory_space<semaphore_mem>>
    %dma_start3A_50 = arith.constant 400 : i32
    %dma_start3A_51 = tpu.memref_slice %arg5[%dma_start3A_50] : memref<800xi32, #tpu.memory_space<vmem>> -> memref<200xi32, #tpu.memory_space<vmem>>
    %dma_start3A_52 = arith.constant 0 : i32
    %dma_start3A_53 = tpu.memref_slice %arg2[%add3A_41, %dma_start3A_52] : memref<4096x200xi32, #tpu.memory_space<hbm>> -> memref<1x200xi32, #tpu.memory_space<hbm>>
    %dma_start3A_54 = tpu.memref_squeeze %dma_start3A_53 : memref<1x200xi32, #tpu.memory_space<hbm>> -> memref<200xi32, #tpu.memory_space<hbm>>
    tpu.enqueue_dma source(%dma_start3A_54 : memref<200xi32, #tpu.memory_space<hbm>>) target(%dma_start3A_51 : memref<200xi32, #tpu.memory_space<vmem>>) target_semaphore(%dma_start3A_49 : memref<!tpu.dma_semaphore, #tpu.memory_space<semaphore_mem>>)
    %mul3A_55 = arith.constant 4 : i32
    %mul3A_56 = arith.muli %mul3A_55, %add3A_4 : i32
    %add3A_57 = arith.constant 3 : i32
    %add3A_58 = arith.addi %mul3A_56, %add3A_57 : i32
    %dma_start3A_59 = arith.constant 0 : i32
    %dma_start3A_60 = arith.constant 600 : i32
    %dma_start3A_61 = tpu.memref_slice %arg5[%dma_start3A_60] : memref<800xi32, #tpu.memory_space<vmem>> -> memref<200xi32, #tpu.memory_space<vmem>>
    %dma_start3A_62 = arith.constant 0 : i32
    %dma_start3A_63 = tpu.memref_slice %arg2[%add3A_58, %dma_start3A_62] : memref<4096x200xi32, #tpu.memory_space<hbm>> -> memref<1x200xi32, #tpu.memory_space<hbm>>
    %dma_start3A_64 = tpu.memref_squeeze %dma_start3A_63 : memref<1x200xi32, #tpu.memory_space<hbm>> -> memref<200xi32, #tpu.memory_space<hbm>>
    %dma_start3A_65 = tpu.memref_slice %arg8[%dma_start3A_59] : memref<2x!tpu.dma_semaphore, #tpu.memory_space<semaphore_mem>> -> memref<1x!tpu.dma_semaphore, #tpu.memory_space<semaphore_mem>>
    %dma_start3A_66 = tpu.memref_squeeze %dma_start3A_65 : memref<1x!tpu.dma_semaphore, #tpu.memory_space<semaphore_mem>> -> memref<!tpu.dma_semaphore, #tpu.memory_space<semaphore_mem>>
    %dma_start3A_67 = arith.constant 600 : i32
    %dma_start3A_68 = tpu.memref_slice %arg5[%dma_start3A_67] : memref<800xi32, #tpu.memory_space<vmem>> -> memref<200xi32, #tpu.memory_space<vmem>>
    %dma_start3A_69 = arith.constant 0 : i32
    %dma_start3A_70 = tpu.memref_slice %arg2[%add3A_58, %dma_start3A_69] : memref<4096x200xi32, #tpu.memory_space<hbm>> -> memref<1x200xi32, #tpu.memory_space<hbm>>
    %dma_start3A_71 = tpu.memref_squeeze %dma_start3A_70 : memref<1x200xi32, #tpu.memory_space<hbm>> -> memref<200xi32, #tpu.memory_space<hbm>>
    tpu.enqueue_dma source(%dma_start3A_71 : memref<200xi32, #tpu.memory_space<hbm>>) target(%dma_start3A_68 : memref<200xi32, #tpu.memory_space<vmem>>) target_semaphore(%dma_start3A_66 : memref<!tpu.dma_semaphore, #tpu.memory_space<semaphore_mem>>)
    %add3A_72 = arith.constant 1 : i32
    %add3A_73 = arith.addi %mul3A_2, %add3A_72 : i32
    %mul3A_74 = arith.constant 4 : i32
    %mul3A_75 = arith.muli %mul3A_74, %add3A_73 : i32
    %add3A_76 = arith.constant 0 : i32
    %add3A_77 = arith.addi %mul3A_75, %add3A_76 : i32
    %dma_start3A_78 = arith.constant 1 : i32
    %dma_start3A_79 = arith.constant 0 : i32
    %dma_start3A_80 = tpu.memref_slice %arg6[%dma_start3A_79] : memref<800xi32, #tpu.memory_space<vmem>> -> memref<200xi32, #tpu.memory_space<vmem>>
    %dma_start3A_81 = arith.constant 0 : i32
    %dma_start3A_82 = tpu.memref_slice %arg2[%add3A_77, %dma_start3A_81] : memref<4096x200xi32, #tpu.memory_space<hbm>> -> memref<1x200xi32, #tpu.memory_space<hbm>>
    %dma_start3A_83 = tpu.memref_squeeze %dma_start3A_82 : memref<1x200xi32, #tpu.memory_space<hbm>> -> memref<200xi32, #tpu.memory_space<hbm>>
    %dma_start3A_84 = tpu.memref_slice %arg8[%dma_start3A_78] : memref<2x!tpu.dma_semaphore, #tpu.memory_space<semaphore_mem>> -> memref<1x!tpu.dma_semaphore, #tpu.memory_space<semaphore_mem>>
    %dma_start3A_85 = tpu.memref_squeeze %dma_start3A_84 : memref<1x!tpu.dma_semaphore, #tpu.memory_space<semaphore_mem>> -> memref<!tpu.dma_semaphore, #tpu.memory_space<semaphore_mem>>
    %dma_start3A_86 = arith.constant 0 : i32
    %dma_start3A_87 = tpu.memref_slice %arg6[%dma_start3A_86] : memref<800xi32, #tpu.memory_space<vmem>> -> memref<200xi32, #tpu.memory_space<vmem>>
    %dma_start3A_88 = arith.constant 0 : i32
    %dma_start3A_89 = tpu.memref_slice %arg2[%add3A_77, %dma_start3A_88] : memref<4096x200xi32, #tpu.memory_space<hbm>> -> memref<1x200xi32, #tpu.memory_space<hbm>>
    %dma_start3A_90 = tpu.memref_squeeze %dma_start3A_89 : memref<1x200xi32, #tpu.memory_space<hbm>> -> memref<200xi32, #tpu.memory_space<hbm>>
    tpu.enqueue_dma source(%dma_start3A_90 : memref<200xi32, #tpu.memory_space<hbm>>) target(%dma_start3A_87 : memref<200xi32, #tpu.memory_space<vmem>>) target_semaphore(%dma_start3A_85 : memref<!tpu.dma_semaphore, #tpu.memory_space<semaphore_mem>>)
    %mul3A_91 = arith.constant 4 : i32
    %mul3A_92 = arith.muli %mul3A_91, %add3A_73 : i32
    %add3A_93 = arith.constant 1 : i32
    %add3A_94 = arith.addi %mul3A_92, %add3A_93 : i32
    %dma_start3A_95 = arith.constant 1 : i32
    %dma_start3A_96 = arith.constant 200 : i32
    %dma_start3A_97 = tpu.memref_slice %arg6[%dma_start3A_96] : memref<800xi32, #tpu.memory_space<vmem>> -> memref<200xi32, #tpu.memory_space<vmem>>
    %dma_start3A_98 = arith.constant 0 : i32
    %dma_start3A_99 = tpu.memref_slice %arg2[%add3A_94, %dma_start3A_98] : memref<4096x200xi32, #tpu.memory_space<hbm>> -> memref<1x200xi32, #tpu.memory_space<hbm>>
    %dma_start3A_100 = tpu.memref_squeeze %dma_start3A_99 : memref<1x200xi32, #tpu.memory_space<hbm>> -> memref<200xi32, #tpu.memory_space<hbm>>
    %dma_start3A_101 = tpu.memref_slice %arg8[%dma_start3A_95] : memref<2x!tpu.dma_semaphore, #tpu.memory_space<semaphore_mem>> -> memref<1x!tpu.dma_semaphore, #tpu.memory_space<semaphore_mem>>
    %dma_start3A_102 = tpu.memref_squeeze %dma_start3A_101 : memref<1x!tpu.dma_semaphore, #tpu.memory_space<semaphore_mem>> -> memref<!tpu.dma_semaphore, #tpu.memory_space<semaphore_mem>>
    %dma_start3A_103 = arith.constant 200 : i32
    %dma_start3A_104 = tpu.memref_slice %arg6[%dma_start3A_103] : memref<800xi32, #tpu.memory_space<vmem>> -> memref<200xi32, #tpu.memory_space<vmem>>
    %dma_start3A_105 = arith.constant 0 : i32
    %dma_start3A_106 = tpu.memref_slice %arg2[%add3A_94, %dma_start3A_105] : memref<4096x200xi32, #tpu.memory_space<hbm>> -> memref<1x200xi32, #tpu.memory_space<hbm>>
    %dma_start3A_107 = tpu.memref_squeeze %dma_start3A_106 : memref<1x200xi32, #tpu.memory_space<hbm>> -> memref<200xi32, #tpu.memory_space<hbm>>
    tpu.enqueue_dma source(%dma_start3A_107 : memref<200xi32, #tpu.memory_space<hbm>>) target(%dma_start3A_104 : memref<200xi32, #tpu.memory_space<vmem>>) target_semaphore(%dma_start3A_102 : memref<!tpu.dma_semaphore, #tpu.memory_space<semaphore_mem>>)
    %mul3A_108 = arith.constant 4 : i32
    %mul3A_109 = arith.muli %mul3A_108, %add3A_73 : i32
    %add3A_110 = arith.constant 2 : i32
    %add3A_111 = arith.addi %mul3A_109, %add3A_110 : i32
    %dma_start3A_112 = arith.constant 1 : i32
    %dma_start3A_113 = arith.constant 400 : i32
    %dma_start3A_114 = tpu.memref_slice %arg6[%dma_start3A_113] : memref<800xi32, #tpu.memory_space<vmem>> -> memref<200xi32, #tpu.memory_space<vmem>>
    %dma_start3A_115 = arith.constant 0 : i32
    %dma_start3A_116 = tpu.memref_slice %arg2[%add3A_111, %dma_start3A_115] : memref<4096x200xi32, #tpu.memory_space<hbm>> -> memref<1x200xi32, #tpu.memory_space<hbm>>
    %dma_start3A_117 = tpu.memref_squeeze %dma_start3A_116 : memref<1x200xi32, #tpu.memory_space<hbm>> -> memref<200xi32, #tpu.memory_space<hbm>>
    %dma_start3A_118 = tpu.memref_slice %arg8[%dma_start3A_112] : memref<2x!tpu.dma_semaphore, #tpu.memory_space<semaphore_mem>> -> memref<1x!tpu.dma_semaphore, #tpu.memory_space<semaphore_mem>>
    %dma_start3A_119 = tpu.memref_squeeze %dma_start3A_118 : memref<1x!tpu.dma_semaphore, #tpu.memory_space<semaphore_mem>> -> memref<!tpu.dma_semaphore, #tpu.memory_space<semaphore_mem>>
    %dma_start3A_120 = arith.constant 400 : i32
    %dma_start3A_121 = tpu.memref_slice %arg6[%dma_start3A_120] : memref<800xi32, #tpu.memory_space<vmem>> -> memref<200xi32, #tpu.memory_space<vmem>>
    %dma_start3A_122 = arith.constant 0 : i32
    %dma_start3A_123 = tpu.memref_slice %arg2[%add3A_111, %dma_start3A_122] : memref<4096x200xi32, #tpu.memory_space<hbm>> -> memref<1x200xi32, #tpu.memory_space<hbm>>
    %dma_start3A_124 = tpu.memref_squeeze %dma_start3A_123 : memref<1x200xi32, #tpu.memory_space<hbm>> -> memref<200xi32, #tpu.memory_space<hbm>>
    tpu.enqueue_dma source(%dma_start3A_124 : memref<200xi32, #tpu.memory_space<hbm>>) target(%dma_start3A_121 : memref<200xi32, #tpu.memory_space<vmem>>) target_semaphore(%dma_start3A_119 : memref<!tpu.dma_semaphore, #tpu.memory_space<semaphore_mem>>)
    %mul3A_125 = arith.constant 4 : i32
    %mul3A_126 = arith.muli %mul3A_125, %add3A_73 : i32
    %add3A_127 = arith.constant 3 : i32
    %add3A_128 = arith.addi %mul3A_126, %add3A_127 : i32
    %dma_start3A_129 = arith.constant 1 : i32
    %dma_start3A_130 = arith.constant 600 : i32
    %dma_start3A_131 = tpu.memref_slice %arg6[%dma_start3A_130] : memref<800xi32, #tpu.memory_space<vmem>> -> memref<200xi32, #tpu.memory_space<vmem>>
    %dma_start3A_132 = arith.constant 0 : i32
    %dma_start3A_133 = tpu.memref_slice %arg2[%add3A_128, %dma_start3A_132] : memref<4096x200xi32, #tpu.memory_space<hbm>> -> memref<1x200xi32, #tpu.memory_space<hbm>>
    %dma_start3A_134 = tpu.memref_squeeze %dma_start3A_133 : memref<1x200xi32, #tpu.memory_space<hbm>> -> memref<200xi32, #tpu.memory_space<hbm>>
    %dma_start3A_135 = tpu.memref_slice %arg8[%dma_start3A_129] : memref<2x!tpu.dma_semaphore, #tpu.memory_space<semaphore_mem>> -> memref<1x!tpu.dma_semaphore, #tpu.memory_space<semaphore_mem>>
    %dma_start3A_136 = tpu.memref_squeeze %dma_start3A_135 : memref<1x!tpu.dma_semaphore, #tpu.memory_space<semaphore_mem>> -> memref<!tpu.dma_semaphore, #tpu.memory_space<semaphore_mem>>
    %dma_start3A_137 = arith.constant 600 : i32
    %dma_start3A_138 = tpu.memref_slice %arg6[%dma_start3A_137] : memref<800xi32, #tpu.memory_space<vmem>> -> memref<200xi32, #tpu.memory_space<vmem>>
    %dma_start3A_139 = arith.constant 0 : i32
    %dma_start3A_140 = tpu.memref_slice %arg2[%add3A_128, %dma_start3A_139] : memref<4096x200xi32, #tpu.memory_space<hbm>> -> memref<1x200xi32, #tpu.memory_space<hbm>>
    %dma_start3A_141 = tpu.memref_squeeze %dma_start3A_140 : memref<1x200xi32, #tpu.memory_space<hbm>> -> memref<200xi32, #tpu.memory_space<hbm>>
    tpu.enqueue_dma source(%dma_start3A_141 : memref<200xi32, #tpu.memory_space<hbm>>) target(%dma_start3A_138 : memref<200xi32, #tpu.memory_space<vmem>>) target_semaphore(%dma_start3A_136 : memref<!tpu.dma_semaphore, #tpu.memory_space<semaphore_mem>>)
    %scan3A = arith.constant 0 : i32
    %scan3A_142 = arith.constant 0 : i32
    %scan3A_143 = arith.constant 16 : i32
    %scan3A_144 = arith.addi %scan3A_142, %scan3A_143 : i32
    %scan3A_145 = arith.constant 1 : i32
    scf.for %scan3A_193 = %scan3A_142 to %scan3A_144 step %scan3A_145  : i32 {
      %mul3A_194 = arith.constant 2 : i32
      %mul3A_195 = arith.muli %scan3A_193, %mul3A_194 : i32
      %add3A_196 = arith.constant 0 : i32
      %add3A_197 = arith.addi %mul3A_195, %add3A_196 : i32
      %add3A_198 = arith.addi %mul3A_2, %add3A_197 : i32
      %gt3A = arith.constant 0 : i32
      %gt3A_199 = arith.cmpi sgt, %scan3A_193, %gt3A : i32
      %convert_element_type3A = arith.extui %gt3A_199 : i1 to i32
      %cond3A = arith.constant 0 : i32
      %cond3A_200 = arith.constant 0 : i32
      %cond3A_201 = arith.cmpi ne, %convert_element_type3A, %cond3A_200 : i32
      scf.if %cond3A_201 {
        %sub3A_442 = arith.constant 2 : i32
        %sub3A_443 = arith.subi %add3A_198, %sub3A_442 : i32
        %mul3A_444 = arith.constant 800 : i32
        %mul3A_445 = arith.muli %mul3A_444, %sub3A_443 : i32
        %dma_wait3A_446 = arith.constant 0 : i32
        %dma_wait3A_447 = arith.constant 0 : i32
        %dma_wait3A_448 = arith.constant 0 : i32
        %dma_wait3A_449 = tpu.memref_slice %arg7[%cond3A, %dma_wait3A_447, %dma_wait3A_448] : memref<2x800x64xf32, #tpu.memory_space<vmem>> -> memref<1x800x64xf32, #tpu.memory_space<vmem>>
        %dma_wait3A_450 = tpu.memref_squeeze %dma_wait3A_449 : memref<1x800x64xf32, #tpu.memory_space<vmem>> -> memref<800x64xf32, #tpu.memory_space<vmem>>
        %dma_wait3A_451 = arith.constant 0 : i32
        %dma_wait3A_452 = tpu.memref_slice %arg4[%mul3A_445, %dma_wait3A_451] : memref<819200x128xf32, #tpu.memory_space<hbm>> -> memref<800x64xf32, #tpu.memory_space<hbm>>
        %dma_wait3A_453 = tpu.memref_slice %arg10[%dma_wait3A_446] : memref<2x!tpu.dma_semaphore, #tpu.memory_space<semaphore_mem>> -> memref<1x!tpu.dma_semaphore, #tpu.memory_space<semaphore_mem>>
        %dma_wait3A_454 = tpu.memref_squeeze %dma_wait3A_453 : memref<1x!tpu.dma_semaphore, #tpu.memory_space<semaphore_mem>> -> memref<!tpu.dma_semaphore, #tpu.memory_space<semaphore_mem>>
        %dma_wait3A_455 = arith.constant 0 : i32
        %dma_wait3A_456 = tpu.memref_slice %arg4[%mul3A_445, %dma_wait3A_455] : memref<819200x128xf32, #tpu.memory_space<hbm>> -> memref<800x64xf32, #tpu.memory_space<hbm>>
        %dma_wait3A_457 = arith.constant 0 : i32
        %dma_wait3A_458 = arith.constant 0 : i32
        %dma_wait3A_459 = tpu.memref_slice %arg7[%cond3A, %dma_wait3A_457, %dma_wait3A_458] : memref<2x800x64xf32, #tpu.memory_space<vmem>> -> memref<1x800x64xf32, #tpu.memory_space<vmem>>
        %dma_wait3A_460 = tpu.memref_squeeze %dma_wait3A_459 : memref<1x800x64xf32, #tpu.memory_space<vmem>> -> memref<800x64xf32, #tpu.memory_space<vmem>>
        tpu.wait_dma2 semaphore(%dma_wait3A_454 : memref<!tpu.dma_semaphore, #tpu.memory_space<semaphore_mem>>) src(%dma_wait3A_460 : memref<800x64xf32, #tpu.memory_space<vmem>>) dst(%dma_wait3A_456 : memref<800x64xf32, #tpu.memory_space<hbm>>)
      } else {
      }
      %mul3A_202 = arith.constant 4 : i32
      %mul3A_203 = arith.muli %mul3A_202, %add3A_198 : i32
      %add3A_204 = arith.constant 0 : i32
      %add3A_205 = arith.addi %mul3A_203, %add3A_204 : i32
      %dma_wait3A_206 = arith.constant 0 : i32
      %dma_wait3A_207 = arith.constant 0 : i32
      %dma_wait3A_208 = tpu.memref_slice %arg5[%dma_wait3A_207] : memref<800xi32, #tpu.memory_space<vmem>> -> memref<200xi32, #tpu.memory_space<vmem>>
      %dma_wait3A_209 = arith.constant 0 : i32
      %dma_wait3A_210 = tpu.memref_slice %arg2[%add3A_205, %dma_wait3A_209] : memref<4096x200xi32, #tpu.memory_space<hbm>> -> memref<1x200xi32, #tpu.memory_space<hbm>>
      %dma_wait3A_211 = tpu.memref_squeeze %dma_wait3A_210 : memref<1x200xi32, #tpu.memory_space<hbm>> -> memref<200xi32, #tpu.memory_space<hbm>>
      %dma_wait3A_212 = tpu.memref_slice %arg8[%dma_wait3A_206] : memref<2x!tpu.dma_semaphore, #tpu.memory_space<semaphore_mem>> -> memref<1x!tpu.dma_semaphore, #tpu.memory_space<semaphore_mem>>
      %dma_wait3A_213 = tpu.memref_squeeze %dma_wait3A_212 : memref<1x!tpu.dma_semaphore, #tpu.memory_space<semaphore_mem>> -> memref<!tpu.dma_semaphore, #tpu.memory_space<semaphore_mem>>
      %dma_wait3A_214 = arith.constant 0 : i32
      %dma_wait3A_215 = tpu.memref_slice %arg5[%dma_wait3A_214] : memref<800xi32, #tpu.memory_space<vmem>> -> memref<200xi32, #tpu.memory_space<vmem>>
      %dma_wait3A_216 = arith.constant 0 : i32
      %dma_wait3A_217 = tpu.memref_slice %arg2[%add3A_205, %dma_wait3A_216] : memref<4096x200xi32, #tpu.memory_space<hbm>> -> memref<1x200xi32, #tpu.memory_space<hbm>>
      %dma_wait3A_218 = tpu.memref_squeeze %dma_wait3A_217 : memref<1x200xi32, #tpu.memory_space<hbm>> -> memref<200xi32, #tpu.memory_space<hbm>>
      tpu.wait_dma2 semaphore(%dma_wait3A_213 : memref<!tpu.dma_semaphore, #tpu.memory_space<semaphore_mem>>) src(%dma_wait3A_218 : memref<200xi32, #tpu.memory_space<hbm>>) dst(%dma_wait3A_215 : memref<200xi32, #tpu.memory_space<vmem>>)
      %mul3A_219 = arith.constant 4 : i32
      %mul3A_220 = arith.muli %mul3A_219, %add3A_198 : i32
      %add3A_221 = arith.constant 1 : i32
      %add3A_222 = arith.addi %mul3A_220, %add3A_221 : i32
      %dma_wait3A_223 = arith.constant 0 : i32
      %dma_wait3A_224 = arith.constant 200 : i32
      %dma_wait3A_225 = tpu.memref_slice %arg5[%dma_wait3A_224] : memref<800xi32, #tpu.memory_space<vmem>> -> memref<200xi32, #tpu.memory_space<vmem>>
      %dma_wait3A_226 = arith.constant 0 : i32
      %dma_wait3A_227 = tpu.memref_slice %arg2[%add3A_222, %dma_wait3A_226] : memref<4096x200xi32, #tpu.memory_space<hbm>> -> memref<1x200xi32, #tpu.memory_space<hbm>>
      %dma_wait3A_228 = tpu.memref_squeeze %dma_wait3A_227 : memref<1x200xi32, #tpu.memory_space<hbm>> -> memref<200xi32, #tpu.memory_space<hbm>>
      %dma_wait3A_229 = tpu.memref_slice %arg8[%dma_wait3A_223] : memref<2x!tpu.dma_semaphore, #tpu.memory_space<semaphore_mem>> -> memref<1x!tpu.dma_semaphore, #tpu.memory_space<semaphore_mem>>
      %dma_wait3A_230 = tpu.memref_squeeze %dma_wait3A_229 : memref<1x!tpu.dma_semaphore, #tpu.memory_space<semaphore_mem>> -> memref<!tpu.dma_semaphore, #tpu.memory_space<semaphore_mem>>
      %dma_wait3A_231 = arith.constant 200 : i32
      %dma_wait3A_232 = tpu.memref_slice %arg5[%dma_wait3A_231] : memref<800xi32, #tpu.memory_space<vmem>> -> memref<200xi32, #tpu.memory_space<vmem>>
      %dma_wait3A_233 = arith.constant 0 : i32
      %dma_wait3A_234 = tpu.memref_slice %arg2[%add3A_222, %dma_wait3A_233] : memref<4096x200xi32, #tpu.memory_space<hbm>> -> memref<1x200xi32, #tpu.memory_space<hbm>>
      %dma_wait3A_235 = tpu.memref_squeeze %dma_wait3A_234 : memref<1x200xi32, #tpu.memory_space<hbm>> -> memref<200xi32, #tpu.memory_space<hbm>>
      tpu.wait_dma2 semaphore(%dma_wait3A_230 : memref<!tpu.dma_semaphore, #tpu.memory_space<semaphore_mem>>) src(%dma_wait3A_235 : memref<200xi32, #tpu.memory_space<hbm>>) dst(%dma_wait3A_232 : memref<200xi32, #tpu.memory_space<vmem>>)
      %mul3A_236 = arith.constant 4 : i32
      %mul3A_237 = arith.muli %mul3A_236, %add3A_198 : i32
      %add3A_238 = arith.constant 2 : i32
      %add3A_239 = arith.addi %mul3A_237, %add3A_238 : i32
      %dma_wait3A_240 = arith.constant 0 : i32
      %dma_wait3A_241 = arith.constant 400 : i32
      %dma_wait3A_242 = tpu.memref_slice %arg5[%dma_wait3A_241] : memref<800xi32, #tpu.memory_space<vmem>> -> memref<200xi32, #tpu.memory_space<vmem>>
      %dma_wait3A_243 = arith.constant 0 : i32
      %dma_wait3A_244 = tpu.memref_slice %arg2[%add3A_239, %dma_wait3A_243] : memref<4096x200xi32, #tpu.memory_space<hbm>> -> memref<1x200xi32, #tpu.memory_space<hbm>>
      %dma_wait3A_245 = tpu.memref_squeeze %dma_wait3A_244 : memref<1x200xi32, #tpu.memory_space<hbm>> -> memref<200xi32, #tpu.memory_space<hbm>>
      %dma_wait3A_246 = tpu.memref_slice %arg8[%dma_wait3A_240] : memref<2x!tpu.dma_semaphore, #tpu.memory_space<semaphore_mem>> -> memref<1x!tpu.dma_semaphore, #tpu.memory_space<semaphore_mem>>
      %dma_wait3A_247 = tpu.memref_squeeze %dma_wait3A_246 : memref<1x!tpu.dma_semaphore, #tpu.memory_space<semaphore_mem>> -> memref<!tpu.dma_semaphore, #tpu.memory_space<semaphore_mem>>
      %dma_wait3A_248 = arith.constant 400 : i32
      %dma_wait3A_249 = tpu.memref_slice %arg5[%dma_wait3A_248] : memref<800xi32, #tpu.memory_space<vmem>> -> memref<200xi32, #tpu.memory_space<vmem>>
      %dma_wait3A_250 = arith.constant 0 : i32
      %dma_wait3A_251 = tpu.memref_slice %arg2[%add3A_239, %dma_wait3A_250] : memref<4096x200xi32, #tpu.memory_space<hbm>> -> memref<1x200xi32, #tpu.memory_space<hbm>>
      %dma_wait3A_252 = tpu.memref_squeeze %dma_wait3A_251 : memref<1x200xi32, #tpu.memory_space<hbm>> -> memref<200xi32, #tpu.memory_space<hbm>>
      tpu.wait_dma2 semaphore(%dma_wait3A_247 : memref<!tpu.dma_semaphore, #tpu.memory_space<semaphore_mem>>) src(%dma_wait3A_252 : memref<200xi32, #tpu.memory_space<hbm>>) dst(%dma_wait3A_249 : memref<200xi32, #tpu.memory_space<vmem>>)
      %mul3A_253 = arith.constant 4 : i32
      %mul3A_254 = arith.muli %mul3A_253, %add3A_198 : i32
      %add3A_255 = arith.constant 3 : i32
      %add3A_256 = arith.addi %mul3A_254, %add3A_255 : i32
      %dma_wait3A_257 = arith.constant 0 : i32
      %dma_wait3A_258 = arith.constant 600 : i32
      %dma_wait3A_259 = tpu.memref_slice %arg5[%dma_wait3A_258] : memref<800xi32, #tpu.memory_space<vmem>> -> memref<200xi32, #tpu.memory_space<vmem>>
      %dma_wait3A_260 = arith.constant 0 : i32
      %dma_wait3A_261 = tpu.memref_slice %arg2[%add3A_256, %dma_wait3A_260] : memref<4096x200xi32, #tpu.memory_space<hbm>> -> memref<1x200xi32, #tpu.memory_space<hbm>>
      %dma_wait3A_262 = tpu.memref_squeeze %dma_wait3A_261 : memref<1x200xi32, #tpu.memory_space<hbm>> -> memref<200xi32, #tpu.memory_space<hbm>>
      %dma_wait3A_263 = tpu.memref_slice %arg8[%dma_wait3A_257] : memref<2x!tpu.dma_semaphore, #tpu.memory_space<semaphore_mem>> -> memref<1x!tpu.dma_semaphore, #tpu.memory_space<semaphore_mem>>
      %dma_wait3A_264 = tpu.memref_squeeze %dma_wait3A_263 : memref<1x!tpu.dma_semaphore, #tpu.memory_space<semaphore_mem>> -> memref<!tpu.dma_semaphore, #tpu.memory_space<semaphore_mem>>
      %dma_wait3A_265 = arith.constant 600 : i32
      %dma_wait3A_266 = tpu.memref_slice %arg5[%dma_wait3A_265] : memref<800xi32, #tpu.memory_space<vmem>> -> memref<200xi32, #tpu.memory_space<vmem>>
      %dma_wait3A_267 = arith.constant 0 : i32
      %dma_wait3A_268 = tpu.memref_slice %arg2[%add3A_256, %dma_wait3A_267] : memref<4096x200xi32, #tpu.memory_space<hbm>> -> memref<1x200xi32, #tpu.memory_space<hbm>>
      %dma_wait3A_269 = tpu.memref_squeeze %dma_wait3A_268 : memref<1x200xi32, #tpu.memory_space<hbm>> -> memref<200xi32, #tpu.memory_space<hbm>>
      tpu.wait_dma2 semaphore(%dma_wait3A_264 : memref<!tpu.dma_semaphore, #tpu.memory_space<semaphore_mem>>) src(%dma_wait3A_269 : memref<200xi32, #tpu.memory_space<hbm>>) dst(%dma_wait3A_266 : memref<200xi32, #tpu.memory_space<vmem>>)
      %dma_start3A_270 = arith.constant 0 : i32
      %dma_start3A_271 = arith.constant 0 : i32
      %dma_start3A_272 = arith.constant 0 : i32
      %dma_start3A_273 = arith.constant 0 : i32
      %dma_start3A_274 = tpu.memref_slice %arg7[%dma_start3A_270, %dma_start3A_272, %dma_start3A_273] : memref<2x800x64xf32, #tpu.memory_space<vmem>> -> memref<1x800x64xf32, #tpu.memory_space<vmem>>
      %dma_start3A_275 = tpu.memref_squeeze %dma_start3A_274 : memref<1x800x64xf32, #tpu.memory_space<vmem>> -> memref<800x64xf32, #tpu.memory_space<vmem>>
      %dma_start3A_276 = arith.constant 0 : i32
      %dma_start3A_277 = arith.constant 0 : i32
      %dma_start3A_278 = tpu.memref_slice %arg3[%dma_start3A_276, %dma_start3A_277] : memref<100000x64xf32, #tpu.memory_space<hbm>> -> memref<100000x64xf32, #tpu.memory_space<hbm>>
      %dma_start3A_279 = tpu.memref_slice %arg9[%dma_start3A_271] : memref<2x!tpu.dma_semaphore, #tpu.memory_space<semaphore_mem>> -> memref<1x!tpu.dma_semaphore, #tpu.memory_space<semaphore_mem>>
      %dma_start3A_280 = tpu.memref_squeeze %dma_start3A_279 : memref<1x!tpu.dma_semaphore, #tpu.memory_space<semaphore_mem>> -> memref<!tpu.dma_semaphore, #tpu.memory_space<semaphore_mem>>
      tpu.enqueue_indirect_dma source(%dma_start3A_278 : memref<100000x64xf32, #tpu.memory_space<hbm>>) target(%dma_start3A_275 : memref<800x64xf32, #tpu.memory_space<vmem>>) offsets(%arg5 : memref<800xi32, #tpu.memory_space<vmem>>) semaphore(%dma_start3A_280 : memref<!tpu.dma_semaphore, #tpu.memory_space<semaphore_mem>>)
      %dma_wait3A_281 = arith.constant 0 : i32
      %dma_wait3A_282 = arith.constant 0 : i32
      %dma_wait3A_283 = arith.constant 0 : i32
      %dma_wait3A_284 = arith.constant 0 : i32
      %dma_wait3A_285 = tpu.memref_slice %arg7[%dma_wait3A_281, %dma_wait3A_283, %dma_wait3A_284] : memref<2x800x64xf32, #tpu.memory_space<vmem>> -> memref<1x800x64xf32, #tpu.memory_space<vmem>>
      %dma_wait3A_286 = tpu.memref_squeeze %dma_wait3A_285 : memref<1x800x64xf32, #tpu.memory_space<vmem>> -> memref<800x64xf32, #tpu.memory_space<vmem>>
      %dma_wait3A_287 = arith.constant 0 : i32
      %dma_wait3A_288 = arith.constant 0 : i32
      %dma_wait3A_289 = tpu.memref_slice %arg3[%dma_wait3A_287, %dma_wait3A_288] : memref<100000x64xf32, #tpu.memory_space<hbm>> -> memref<100000x64xf32, #tpu.memory_space<hbm>>
      %dma_wait3A_290 = tpu.memref_slice %arg9[%dma_wait3A_282] : memref<2x!tpu.dma_semaphore, #tpu.memory_space<semaphore_mem>> -> memref<1x!tpu.dma_semaphore, #tpu.memory_space<semaphore_mem>>
      %dma_wait3A_291 = tpu.memref_squeeze %dma_wait3A_290 : memref<1x!tpu.dma_semaphore, #tpu.memory_space<semaphore_mem>> -> memref<!tpu.dma_semaphore, #tpu.memory_space<semaphore_mem>>
      tpu.wait_indirect_dma semaphore(%dma_wait3A_291 : memref<!tpu.dma_semaphore, #tpu.memory_space<semaphore_mem>>) src(%dma_wait3A_289 : memref<100000x64xf32, #tpu.memory_space<hbm>>) dst(%dma_wait3A_286 : memref<800x64xf32, #tpu.memory_space<vmem>>)
      %add3A_292 = arith.constant 2 : i32
      %add3A_293 = arith.addi %add3A_197, %add3A_292 : i32
      %lt3A = arith.constant 32 : i32
      %lt3A_294 = arith.cmpi slt, %add3A_293, %lt3A : i32
      %convert_element_type3A_295 = arith.extui %lt3A_294 : i1 to i32
      %cond3A_296 = arith.constant 0 : i32
      %cond3A_297 = arith.cmpi ne, %convert_element_type3A_295, %cond3A_296 : i32
      scf.if %cond3A_297 {
        %add3A_442 = arith.constant 2 : i32
        %add3A_443 = arith.addi %add3A_198, %add3A_442 : i32
        %mul3A_444 = arith.constant 4 : i32
        %mul3A_445 = arith.muli %mul3A_444, %add3A_443 : i32
        %add3A_446 = arith.constant 0 : i32
        %add3A_447 = arith.addi %mul3A_445, %add3A_446 : i32
        %dma_start3A_448 = arith.constant 0 : i32
        %dma_start3A_449 = arith.constant 0 : i32
        %dma_start3A_450 = tpu.memref_slice %arg5[%dma_start3A_449] : memref<800xi32, #tpu.memory_space<vmem>> -> memref<200xi32, #tpu.memory_space<vmem>>
        %dma_start3A_451 = arith.constant 0 : i32
        %dma_start3A_452 = tpu.memref_slice %arg2[%add3A_447, %dma_start3A_451] : memref<4096x200xi32, #tpu.memory_space<hbm>> -> memref<1x200xi32, #tpu.memory_space<hbm>>
        %dma_start3A_453 = tpu.memref_squeeze %dma_start3A_452 : memref<1x200xi32, #tpu.memory_space<hbm>> -> memref<200xi32, #tpu.memory_space<hbm>>
        %dma_start3A_454 = tpu.memref_slice %arg8[%dma_start3A_448] : memref<2x!tpu.dma_semaphore, #tpu.memory_space<semaphore_mem>> -> memref<1x!tpu.dma_semaphore, #tpu.memory_space<semaphore_mem>>
        %dma_start3A_455 = tpu.memref_squeeze %dma_start3A_454 : memref<1x!tpu.dma_semaphore, #tpu.memory_space<semaphore_mem>> -> memref<!tpu.dma_semaphore, #tpu.memory_space<semaphore_mem>>
        %dma_start3A_456 = arith.constant 0 : i32
        %dma_start3A_457 = tpu.memref_slice %arg5[%dma_start3A_456] : memref<800xi32, #tpu.memory_space<vmem>> -> memref<200xi32, #tpu.memory_space<vmem>>
        %dma_start3A_458 = arith.constant 0 : i32
        %dma_start3A_459 = tpu.memref_slice %arg2[%add3A_447, %dma_start3A_458] : memref<4096x200xi32, #tpu.memory_space<hbm>> -> memref<1x200xi32, #tpu.memory_space<hbm>>
        %dma_start3A_460 = tpu.memref_squeeze %dma_start3A_459 : memref<1x200xi32, #tpu.memory_space<hbm>> -> memref<200xi32, #tpu.memory_space<hbm>>
        tpu.enqueue_dma source(%dma_start3A_460 : memref<200xi32, #tpu.memory_space<hbm>>) target(%dma_start3A_457 : memref<200xi32, #tpu.memory_space<vmem>>) target_semaphore(%dma_start3A_455 : memref<!tpu.dma_semaphore, #tpu.memory_space<semaphore_mem>>)
        %mul3A_461 = arith.constant 4 : i32
        %mul3A_462 = arith.muli %mul3A_461, %add3A_443 : i32
        %add3A_463 = arith.constant 1 : i32
        %add3A_464 = arith.addi %mul3A_462, %add3A_463 : i32
        %dma_start3A_465 = arith.constant 0 : i32
        %dma_start3A_466 = arith.constant 200 : i32
        %dma_start3A_467 = tpu.memref_slice %arg5[%dma_start3A_466] : memref<800xi32, #tpu.memory_space<vmem>> -> memref<200xi32, #tpu.memory_space<vmem>>
        %dma_start3A_468 = arith.constant 0 : i32
        %dma_start3A_469 = tpu.memref_slice %arg2[%add3A_464, %dma_start3A_468] : memref<4096x200xi32, #tpu.memory_space<hbm>> -> memref<1x200xi32, #tpu.memory_space<hbm>>
        %dma_start3A_470 = tpu.memref_squeeze %dma_start3A_469 : memref<1x200xi32, #tpu.memory_space<hbm>> -> memref<200xi32, #tpu.memory_space<hbm>>
        %dma_start3A_471 = tpu.memref_slice %arg8[%dma_start3A_465] : memref<2x!tpu.dma_semaphore, #tpu.memory_space<semaphore_mem>> -> memref<1x!tpu.dma_semaphore, #tpu.memory_space<semaphore_mem>>
        %dma_start3A_472 = tpu.memref_squeeze %dma_start3A_471 : memref<1x!tpu.dma_semaphore, #tpu.memory_space<semaphore_mem>> -> memref<!tpu.dma_semaphore, #tpu.memory_space<semaphore_mem>>
        %dma_start3A_473 = arith.constant 200 : i32
        %dma_start3A_474 = tpu.memref_slice %arg5[%dma_start3A_473] : memref<800xi32, #tpu.memory_space<vmem>> -> memref<200xi32, #tpu.memory_space<vmem>>
        %dma_start3A_475 = arith.constant 0 : i32
        %dma_start3A_476 = tpu.memref_slice %arg2[%add3A_464, %dma_start3A_475] : memref<4096x200xi32, #tpu.memory_space<hbm>> -> memref<1x200xi32, #tpu.memory_space<hbm>>
        %dma_start3A_477 = tpu.memref_squeeze %dma_start3A_476 : memref<1x200xi32, #tpu.memory_space<hbm>> -> memref<200xi32, #tpu.memory_space<hbm>>
        tpu.enqueue_dma source(%dma_start3A_477 : memref<200xi32, #tpu.memory_space<hbm>>) target(%dma_start3A_474 : memref<200xi32, #tpu.memory_space<vmem>>) target_semaphore(%dma_start3A_472 : memref<!tpu.dma_semaphore, #tpu.memory_space<semaphore_mem>>)
        %mul3A_478 = arith.constant 4 : i32
        %mul3A_479 = arith.muli %mul3A_478, %add3A_443 : i32
        %add3A_480 = arith.constant 2 : i32
        %add3A_481 = arith.addi %mul3A_479, %add3A_480 : i32
        %dma_start3A_482 = arith.constant 0 : i32
        %dma_start3A_483 = arith.constant 400 : i32
        %dma_start3A_484 = tpu.memref_slice %arg5[%dma_start3A_483] : memref<800xi32, #tpu.memory_space<vmem>> -> memref<200xi32, #tpu.memory_space<vmem>>
        %dma_start3A_485 = arith.constant 0 : i32
        %dma_start3A_486 = tpu.memref_slice %arg2[%add3A_481, %dma_start3A_485] : memref<4096x200xi32, #tpu.memory_space<hbm>> -> memref<1x200xi32, #tpu.memory_space<hbm>>
        %dma_start3A_487 = tpu.memref_squeeze %dma_start3A_486 : memref<1x200xi32, #tpu.memory_space<hbm>> -> memref<200xi32, #tpu.memory_space<hbm>>
        %dma_start3A_488 = tpu.memref_slice %arg8[%dma_start3A_482] : memref<2x!tpu.dma_semaphore, #tpu.memory_space<semaphore_mem>> -> memref<1x!tpu.dma_semaphore, #tpu.memory_space<semaphore_mem>>
        %dma_start3A_489 = tpu.memref_squeeze %dma_start3A_488 : memref<1x!tpu.dma_semaphore, #tpu.memory_space<semaphore_mem>> -> memref<!tpu.dma_semaphore, #tpu.memory_space<semaphore_mem>>
        %dma_start3A_490 = arith.constant 400 : i32
        %dma_start3A_491 = tpu.memref_slice %arg5[%dma_start3A_490] : memref<800xi32, #tpu.memory_space<vmem>> -> memref<200xi32, #tpu.memory_space<vmem>>
        %dma_start3A_492 = arith.constant 0 : i32
        %dma_start3A_493 = tpu.memref_slice %arg2[%add3A_481, %dma_start3A_492] : memref<4096x200xi32, #tpu.memory_space<hbm>> -> memref<1x200xi32, #tpu.memory_space<hbm>>
        %dma_start3A_494 = tpu.memref_squeeze %dma_start3A_493 : memref<1x200xi32, #tpu.memory_space<hbm>> -> memref<200xi32, #tpu.memory_space<hbm>>
        tpu.enqueue_dma source(%dma_start3A_494 : memref<200xi32, #tpu.memory_space<hbm>>) target(%dma_start3A_491 : memref<200xi32, #tpu.memory_space<vmem>>) target_semaphore(%dma_start3A_489 : memref<!tpu.dma_semaphore, #tpu.memory_space<semaphore_mem>>)
        %mul3A_495 = arith.constant 4 : i32
        %mul3A_496 = arith.muli %mul3A_495, %add3A_443 : i32
        %add3A_497 = arith.constant 3 : i32
        %add3A_498 = arith.addi %mul3A_496, %add3A_497 : i32
        %dma_start3A_499 = arith.constant 0 : i32
        %dma_start3A_500 = arith.constant 600 : i32
        %dma_start3A_501 = tpu.memref_slice %arg5[%dma_start3A_500] : memref<800xi32, #tpu.memory_space<vmem>> -> memref<200xi32, #tpu.memory_space<vmem>>
        %dma_start3A_502 = arith.constant 0 : i32
        %dma_start3A_503 = tpu.memref_slice %arg2[%add3A_498, %dma_start3A_502] : memref<4096x200xi32, #tpu.memory_space<hbm>> -> memref<1x200xi32, #tpu.memory_space<hbm>>
        %dma_start3A_504 = tpu.memref_squeeze %dma_start3A_503 : memref<1x200xi32, #tpu.memory_space<hbm>> -> memref<200xi32, #tpu.memory_space<hbm>>
        %dma_start3A_505 = tpu.memref_slice %arg8[%dma_start3A_499] : memref<2x!tpu.dma_semaphore, #tpu.memory_space<semaphore_mem>> -> memref<1x!tpu.dma_semaphore, #tpu.memory_space<semaphore_mem>>
        %dma_start3A_506 = tpu.memref_squeeze %dma_start3A_505 : memref<1x!tpu.dma_semaphore, #tpu.memory_space<semaphore_mem>> -> memref<!tpu.dma_semaphore, #tpu.memory_space<semaphore_mem>>
        %dma_start3A_507 = arith.constant 600 : i32
        %dma_start3A_508 = tpu.memref_slice %arg5[%dma_start3A_507] : memref<800xi32, #tpu.memory_space<vmem>> -> memref<200xi32, #tpu.memory_space<vmem>>
        %dma_start3A_509 = arith.constant 0 : i32
        %dma_start3A_510 = tpu.memref_slice %arg2[%add3A_498, %dma_start3A_509] : memref<4096x200xi32, #tpu.memory_space<hbm>> -> memref<1x200xi32, #tpu.memory_space<hbm>>
        %dma_start3A_511 = tpu.memref_squeeze %dma_start3A_510 : memref<1x200xi32, #tpu.memory_space<hbm>> -> memref<200xi32, #tpu.memory_space<hbm>>
        tpu.enqueue_dma source(%dma_start3A_511 : memref<200xi32, #tpu.memory_space<hbm>>) target(%dma_start3A_508 : memref<200xi32, #tpu.memory_space<vmem>>) target_semaphore(%dma_start3A_506 : memref<!tpu.dma_semaphore, #tpu.memory_space<semaphore_mem>>)
      } else {
      }
      %mul3A_298 = arith.constant 800 : i32
      %mul3A_299 = arith.muli %mul3A_298, %add3A_198 : i32
      %dma_start3A_300 = arith.constant 0 : i32
      %dma_start3A_301 = arith.constant 0 : i32
      %dma_start3A_302 = arith.constant 0 : i32
      %dma_start3A_303 = arith.constant 0 : i32
      %dma_start3A_304 = tpu.memref_slice %arg7[%dma_start3A_300, %dma_start3A_302, %dma_start3A_303] : memref<2x800x64xf32, #tpu.memory_space<vmem>> -> memref<1x800x64xf32, #tpu.memory_space<vmem>>
      %dma_start3A_305 = tpu.memref_squeeze %dma_start3A_304 : memref<1x800x64xf32, #tpu.memory_space<vmem>> -> memref<800x64xf32, #tpu.memory_space<vmem>>
      %dma_start3A_306 = arith.constant 0 : i32
      %dma_start3A_307 = tpu.memref_slice %arg4[%mul3A_299, %dma_start3A_306] : memref<819200x128xf32, #tpu.memory_space<hbm>> -> memref<800x64xf32, #tpu.memory_space<hbm>>
      %dma_start3A_308 = tpu.memref_slice %arg10[%dma_start3A_301] : memref<2x!tpu.dma_semaphore, #tpu.memory_space<semaphore_mem>> -> memref<1x!tpu.dma_semaphore, #tpu.memory_space<semaphore_mem>>
      %dma_start3A_309 = tpu.memref_squeeze %dma_start3A_308 : memref<1x!tpu.dma_semaphore, #tpu.memory_space<semaphore_mem>> -> memref<!tpu.dma_semaphore, #tpu.memory_space<semaphore_mem>>
      %dma_start3A_310 = arith.constant 0 : i32
      %dma_start3A_311 = tpu.memref_slice %arg4[%mul3A_299, %dma_start3A_310] : memref<819200x128xf32, #tpu.memory_space<hbm>> -> memref<800x64xf32, #tpu.memory_space<hbm>>
      %dma_start3A_312 = arith.constant 0 : i32
      %dma_start3A_313 = arith.constant 0 : i32
      %dma_start3A_314 = tpu.memref_slice %arg7[%dma_start3A_300, %dma_start3A_312, %dma_start3A_313] : memref<2x800x64xf32, #tpu.memory_space<vmem>> -> memref<1x800x64xf32, #tpu.memory_space<vmem>>
      %dma_start3A_315 = tpu.memref_squeeze %dma_start3A_314 : memref<1x800x64xf32, #tpu.memory_space<vmem>> -> memref<800x64xf32, #tpu.memory_space<vmem>>
      tpu.enqueue_dma source(%dma_start3A_315 : memref<800x64xf32, #tpu.memory_space<vmem>>) target(%dma_start3A_311 : memref<800x64xf32, #tpu.memory_space<hbm>>) target_semaphore(%dma_start3A_309 : memref<!tpu.dma_semaphore, #tpu.memory_space<semaphore_mem>>)
      %mul3A_316 = arith.constant 2 : i32
      %mul3A_317 = arith.muli %scan3A_193, %mul3A_316 : i32
      %add3A_318 = arith.constant 1 : i32
      %add3A_319 = arith.addi %mul3A_317, %add3A_318 : i32
      %add3A_320 = arith.addi %mul3A_2, %add3A_319 : i32
      %gt3A_321 = arith.constant 0 : i32
      %gt3A_322 = arith.cmpi sgt, %scan3A_193, %gt3A_321 : i32
      %convert_element_type3A_323 = arith.extui %gt3A_322 : i1 to i32
      %cond3A_324 = arith.constant 1 : i32
      %cond3A_325 = arith.constant 0 : i32
      %cond3A_326 = arith.cmpi ne, %convert_element_type3A_323, %cond3A_325 : i32
      scf.if %cond3A_326 {
        %sub3A_442 = arith.constant 2 : i32
        %sub3A_443 = arith.subi %add3A_320, %sub3A_442 : i32
        %mul3A_444 = arith.constant 800 : i32
        %mul3A_445 = arith.muli %mul3A_444, %sub3A_443 : i32
        %dma_wait3A_446 = arith.constant 1 : i32
        %dma_wait3A_447 = arith.constant 0 : i32
        %dma_wait3A_448 = arith.constant 0 : i32
        %dma_wait3A_449 = tpu.memref_slice %arg7[%cond3A_324, %dma_wait3A_447, %dma_wait3A_448] : memref<2x800x64xf32, #tpu.memory_space<vmem>> -> memref<1x800x64xf32, #tpu.memory_space<vmem>>
        %dma_wait3A_450 = tpu.memref_squeeze %dma_wait3A_449 : memref<1x800x64xf32, #tpu.memory_space<vmem>> -> memref<800x64xf32, #tpu.memory_space<vmem>>
        %dma_wait3A_451 = arith.constant 0 : i32
        %dma_wait3A_452 = tpu.memref_slice %arg4[%mul3A_445, %dma_wait3A_451] : memref<819200x128xf32, #tpu.memory_space<hbm>> -> memref<800x64xf32, #tpu.memory_space<hbm>>
        %dma_wait3A_453 = tpu.memref_slice %arg10[%dma_wait3A_446] : memref<2x!tpu.dma_semaphore, #tpu.memory_space<semaphore_mem>> -> memref<1x!tpu.dma_semaphore, #tpu.memory_space<semaphore_mem>>
        %dma_wait3A_454 = tpu.memref_squeeze %dma_wait3A_453 : memref<1x!tpu.dma_semaphore, #tpu.memory_space<semaphore_mem>> -> memref<!tpu.dma_semaphore, #tpu.memory_space<semaphore_mem>>
        %dma_wait3A_455 = arith.constant 0 : i32
        %dma_wait3A_456 = tpu.memref_slice %arg4[%mul3A_445, %dma_wait3A_455] : memref<819200x128xf32, #tpu.memory_space<hbm>> -> memref<800x64xf32, #tpu.memory_space<hbm>>
        %dma_wait3A_457 = arith.constant 0 : i32
        %dma_wait3A_458 = arith.constant 0 : i32
        %dma_wait3A_459 = tpu.memref_slice %arg7[%cond3A_324, %dma_wait3A_457, %dma_wait3A_458] : memref<2x800x64xf32, #tpu.memory_space<vmem>> -> memref<1x800x64xf32, #tpu.memory_space<vmem>>
        %dma_wait3A_460 = tpu.memref_squeeze %dma_wait3A_459 : memref<1x800x64xf32, #tpu.memory_space<vmem>> -> memref<800x64xf32, #tpu.memory_space<vmem>>
        tpu.wait_dma2 semaphore(%dma_wait3A_454 : memref<!tpu.dma_semaphore, #tpu.memory_space<semaphore_mem>>) src(%dma_wait3A_460 : memref<800x64xf32, #tpu.memory_space<vmem>>) dst(%dma_wait3A_456 : memref<800x64xf32, #tpu.memory_space<hbm>>)
      } else {
      }
      %mul3A_327 = arith.constant 4 : i32
      %mul3A_328 = arith.muli %mul3A_327, %add3A_320 : i32
      %add3A_329 = arith.constant 0 : i32
      %add3A_330 = arith.addi %mul3A_328, %add3A_329 : i32
      %dma_wait3A_331 = arith.constant 1 : i32
      %dma_wait3A_332 = arith.constant 0 : i32
      %dma_wait3A_333 = tpu.memref_slice %arg6[%dma_wait3A_332] : memref<800xi32, #tpu.memory_space<vmem>> -> memref<200xi32, #tpu.memory_space<vmem>>
      %dma_wait3A_334 = arith.constant 0 : i32
      %dma_wait3A_335 = tpu.memref_slice %arg2[%add3A_330, %dma_wait3A_334] : memref<4096x200xi32, #tpu.memory_space<hbm>> -> memref<1x200xi32, #tpu.memory_space<hbm>>
      %dma_wait3A_336 = tpu.memref_squeeze %dma_wait3A_335 : memref<1x200xi32, #tpu.memory_space<hbm>> -> memref<200xi32, #tpu.memory_space<hbm>>
      %dma_wait3A_337 = tpu.memref_slice %arg8[%dma_wait3A_331] : memref<2x!tpu.dma_semaphore, #tpu.memory_space<semaphore_mem>> -> memref<1x!tpu.dma_semaphore, #tpu.memory_space<semaphore_mem>>
      %dma_wait3A_338 = tpu.memref_squeeze %dma_wait3A_337 : memref<1x!tpu.dma_semaphore, #tpu.memory_space<semaphore_mem>> -> memref<!tpu.dma_semaphore, #tpu.memory_space<semaphore_mem>>
      %dma_wait3A_339 = arith.constant 0 : i32
      %dma_wait3A_340 = tpu.memref_slice %arg6[%dma_wait3A_339] : memref<800xi32, #tpu.memory_space<vmem>> -> memref<200xi32, #tpu.memory_space<vmem>>
      %dma_wait3A_341 = arith.constant 0 : i32
      %dma_wait3A_342 = tpu.memref_slice %arg2[%add3A_330, %dma_wait3A_341] : memref<4096x200xi32, #tpu.memory_space<hbm>> -> memref<1x200xi32, #tpu.memory_space<hbm>>
      %dma_wait3A_343 = tpu.memref_squeeze %dma_wait3A_342 : memref<1x200xi32, #tpu.memory_space<hbm>> -> memref<200xi32, #tpu.memory_space<hbm>>
      tpu.wait_dma2 semaphore(%dma_wait3A_338 : memref<!tpu.dma_semaphore, #tpu.memory_space<semaphore_mem>>) src(%dma_wait3A_343 : memref<200xi32, #tpu.memory_space<hbm>>) dst(%dma_wait3A_340 : memref<200xi32, #tpu.memory_space<vmem>>)
      %mul3A_344 = arith.constant 4 : i32
      %mul3A_345 = arith.muli %mul3A_344, %add3A_320 : i32
      %add3A_346 = arith.constant 1 : i32
      %add3A_347 = arith.addi %mul3A_345, %add3A_346 : i32
      %dma_wait3A_348 = arith.constant 1 : i32
      %dma_wait3A_349 = arith.constant 200 : i32
      %dma_wait3A_350 = tpu.memref_slice %arg6[%dma_wait3A_349] : memref<800xi32, #tpu.memory_space<vmem>> -> memref<200xi32, #tpu.memory_space<vmem>>
      %dma_wait3A_351 = arith.constant 0 : i32
      %dma_wait3A_352 = tpu.memref_slice %arg2[%add3A_347, %dma_wait3A_351] : memref<4096x200xi32, #tpu.memory_space<hbm>> -> memref<1x200xi32, #tpu.memory_space<hbm>>
      %dma_wait3A_353 = tpu.memref_squeeze %dma_wait3A_352 : memref<1x200xi32, #tpu.memory_space<hbm>> -> memref<200xi32, #tpu.memory_space<hbm>>
      %dma_wait3A_354 = tpu.memref_slice %arg8[%dma_wait3A_348] : memref<2x!tpu.dma_semaphore, #tpu.memory_space<semaphore_mem>> -> memref<1x!tpu.dma_semaphore, #tpu.memory_space<semaphore_mem>>
      %dma_wait3A_355 = tpu.memref_squeeze %dma_wait3A_354 : memref<1x!tpu.dma_semaphore, #tpu.memory_space<semaphore_mem>> -> memref<!tpu.dma_semaphore, #tpu.memory_space<semaphore_mem>>
      %dma_wait3A_356 = arith.constant 200 : i32
      %dma_wait3A_357 = tpu.memref_slice %arg6[%dma_wait3A_356] : memref<800xi32, #tpu.memory_space<vmem>> -> memref<200xi32, #tpu.memory_space<vmem>>
      %dma_wait3A_358 = arith.constant 0 : i32
      %dma_wait3A_359 = tpu.memref_slice %arg2[%add3A_347, %dma_wait3A_358] : memref<4096x200xi32, #tpu.memory_space<hbm>> -> memref<1x200xi32, #tpu.memory_space<hbm>>
      %dma_wait3A_360 = tpu.memref_squeeze %dma_wait3A_359 : memref<1x200xi32, #tpu.memory_space<hbm>> -> memref<200xi32, #tpu.memory_space<hbm>>
      tpu.wait_dma2 semaphore(%dma_wait3A_355 : memref<!tpu.dma_semaphore, #tpu.memory_space<semaphore_mem>>) src(%dma_wait3A_360 : memref<200xi32, #tpu.memory_space<hbm>>) dst(%dma_wait3A_357 : memref<200xi32, #tpu.memory_space<vmem>>)
      %mul3A_361 = arith.constant 4 : i32
      %mul3A_362 = arith.muli %mul3A_361, %add3A_320 : i32
      %add3A_363 = arith.constant 2 : i32
      %add3A_364 = arith.addi %mul3A_362, %add3A_363 : i32
      %dma_wait3A_365 = arith.constant 1 : i32
      %dma_wait3A_366 = arith.constant 400 : i32
      %dma_wait3A_367 = tpu.memref_slice %arg6[%dma_wait3A_366] : memref<800xi32, #tpu.memory_space<vmem>> -> memref<200xi32, #tpu.memory_space<vmem>>
      %dma_wait3A_368 = arith.constant 0 : i32
      %dma_wait3A_369 = tpu.memref_slice %arg2[%add3A_364, %dma_wait3A_368] : memref<4096x200xi32, #tpu.memory_space<hbm>> -> memref<1x200xi32, #tpu.memory_space<hbm>>
      %dma_wait3A_370 = tpu.memref_squeeze %dma_wait3A_369 : memref<1x200xi32, #tpu.memory_space<hbm>> -> memref<200xi32, #tpu.memory_space<hbm>>
      %dma_wait3A_371 = tpu.memref_slice %arg8[%dma_wait3A_365] : memref<2x!tpu.dma_semaphore, #tpu.memory_space<semaphore_mem>> -> memref<1x!tpu.dma_semaphore, #tpu.memory_space<semaphore_mem>>
      %dma_wait3A_372 = tpu.memref_squeeze %dma_wait3A_371 : memref<1x!tpu.dma_semaphore, #tpu.memory_space<semaphore_mem>> -> memref<!tpu.dma_semaphore, #tpu.memory_space<semaphore_mem>>
      %dma_wait3A_373 = arith.constant 400 : i32
      %dma_wait3A_374 = tpu.memref_slice %arg6[%dma_wait3A_373] : memref<800xi32, #tpu.memory_space<vmem>> -> memref<200xi32, #tpu.memory_space<vmem>>
      %dma_wait3A_375 = arith.constant 0 : i32
      %dma_wait3A_376 = tpu.memref_slice %arg2[%add3A_364, %dma_wait3A_375] : memref<4096x200xi32, #tpu.memory_space<hbm>> -> memref<1x200xi32, #tpu.memory_space<hbm>>
      %dma_wait3A_377 = tpu.memref_squeeze %dma_wait3A_376 : memref<1x200xi32, #tpu.memory_space<hbm>> -> memref<200xi32, #tpu.memory_space<hbm>>
      tpu.wait_dma2 semaphore(%dma_wait3A_372 : memref<!tpu.dma_semaphore, #tpu.memory_space<semaphore_mem>>) src(%dma_wait3A_377 : memref<200xi32, #tpu.memory_space<hbm>>) dst(%dma_wait3A_374 : memref<200xi32, #tpu.memory_space<vmem>>)
      %mul3A_378 = arith.constant 4 : i32
      %mul3A_379 = arith.muli %mul3A_378, %add3A_320 : i32
      %add3A_380 = arith.constant 3 : i32
      %add3A_381 = arith.addi %mul3A_379, %add3A_380 : i32
      %dma_wait3A_382 = arith.constant 1 : i32
      %dma_wait3A_383 = arith.constant 600 : i32
      %dma_wait3A_384 = tpu.memref_slice %arg6[%dma_wait3A_383] : memref<800xi32, #tpu.memory_space<vmem>> -> memref<200xi32, #tpu.memory_space<vmem>>
      %dma_wait3A_385 = arith.constant 0 : i32
      %dma_wait3A_386 = tpu.memref_slice %arg2[%add3A_381, %dma_wait3A_385] : memref<4096x200xi32, #tpu.memory_space<hbm>> -> memref<1x200xi32, #tpu.memory_space<hbm>>
      %dma_wait3A_387 = tpu.memref_squeeze %dma_wait3A_386 : memref<1x200xi32, #tpu.memory_space<hbm>> -> memref<200xi32, #tpu.memory_space<hbm>>
      %dma_wait3A_388 = tpu.memref_slice %arg8[%dma_wait3A_382] : memref<2x!tpu.dma_semaphore, #tpu.memory_space<semaphore_mem>> -> memref<1x!tpu.dma_semaphore, #tpu.memory_space<semaphore_mem>>
      %dma_wait3A_389 = tpu.memref_squeeze %dma_wait3A_388 : memref<1x!tpu.dma_semaphore, #tpu.memory_space<semaphore_mem>> -> memref<!tpu.dma_semaphore, #tpu.memory_space<semaphore_mem>>
      %dma_wait3A_390 = arith.constant 600 : i32
      %dma_wait3A_391 = tpu.memref_slice %arg6[%dma_wait3A_390] : memref<800xi32, #tpu.memory_space<vmem>> -> memref<200xi32, #tpu.memory_space<vmem>>
      %dma_wait3A_392 = arith.constant 0 : i32
      %dma_wait3A_393 = tpu.memref_slice %arg2[%add3A_381, %dma_wait3A_392] : memref<4096x200xi32, #tpu.memory_space<hbm>> -> memref<1x200xi32, #tpu.memory_space<hbm>>
      %dma_wait3A_394 = tpu.memref_squeeze %dma_wait3A_393 : memref<1x200xi32, #tpu.memory_space<hbm>> -> memref<200xi32, #tpu.memory_space<hbm>>
      tpu.wait_dma2 semaphore(%dma_wait3A_389 : memref<!tpu.dma_semaphore, #tpu.memory_space<semaphore_mem>>) src(%dma_wait3A_394 : memref<200xi32, #tpu.memory_space<hbm>>) dst(%dma_wait3A_391 : memref<200xi32, #tpu.memory_space<vmem>>)
      %dma_start3A_395 = arith.constant 1 : i32
      %dma_start3A_396 = arith.constant 1 : i32
      %dma_start3A_397 = arith.constant 0 : i32
      %dma_start3A_398 = arith.constant 0 : i32
      %dma_start3A_399 = tpu.memref_slice %arg7[%dma_start3A_395, %dma_start3A_397, %dma_start3A_398] : memref<2x800x64xf32, #tpu.memory_space<vmem>> -> memref<1x800x64xf32, #tpu.memory_space<vmem>>
      %dma_start3A_400 = tpu.memref_squeeze %dma_start3A_399 : memref<1x800x64xf32, #tpu.memory_space<vmem>> -> memref<800x64xf32, #tpu.memory_space<vmem>>
      %dma_start3A_401 = arith.constant 0 : i32
      %dma_start3A_402 = arith.constant 0 : i32
      %dma_start3A_403 = tpu.memref_slice %arg3[%dma_start3A_401, %dma_start3A_402] : memref<100000x64xf32, #tpu.memory_space<hbm>> -> memref<100000x64xf32, #tpu.memory_space<hbm>>
      %dma_start3A_404 = tpu.memref_slice %arg9[%dma_start3A_396] : memref<2x!tpu.dma_semaphore, #tpu.memory_space<semaphore_mem>> -> memref<1x!tpu.dma_semaphore, #tpu.memory_space<semaphore_mem>>
      %dma_start3A_405 = tpu.memref_squeeze %dma_start3A_404 : memref<1x!tpu.dma_semaphore, #tpu.memory_space<semaphore_mem>> -> memref<!tpu.dma_semaphore, #tpu.memory_space<semaphore_mem>>
      tpu.enqueue_indirect_dma source(%dma_start3A_403 : memref<100000x64xf32, #tpu.memory_space<hbm>>) target(%dma_start3A_400 : memref<800x64xf32, #tpu.memory_space<vmem>>) offsets(%arg6 : memref<800xi32, #tpu.memory_space<vmem>>) semaphore(%dma_start3A_405 : memref<!tpu.dma_semaphore, #tpu.memory_space<semaphore_mem>>)
      %dma_wait3A_406 = arith.constant 1 : i32
      %dma_wait3A_407 = arith.constant 1 : i32
      %dma_wait3A_408 = arith.constant 0 : i32
      %dma_wait3A_409 = arith.constant 0 : i32
      %dma_wait3A_410 = tpu.memref_slice %arg7[%dma_wait3A_406, %dma_wait3A_408, %dma_wait3A_409] : memref<2x800x64xf32, #tpu.memory_space<vmem>> -> memref<1x800x64xf32, #tpu.memory_space<vmem>>
      %dma_wait3A_411 = tpu.memref_squeeze %dma_wait3A_410 : memref<1x800x64xf32, #tpu.memory_space<vmem>> -> memref<800x64xf32, #tpu.memory_space<vmem>>
      %dma_wait3A_412 = arith.constant 0 : i32
      %dma_wait3A_413 = arith.constant 0 : i32
      %dma_wait3A_414 = tpu.memref_slice %arg3[%dma_wait3A_412, %dma_wait3A_413] : memref<100000x64xf32, #tpu.memory_space<hbm>> -> memref<100000x64xf32, #tpu.memory_space<hbm>>
      %dma_wait3A_415 = tpu.memref_slice %arg9[%dma_wait3A_407] : memref<2x!tpu.dma_semaphore, #tpu.memory_space<semaphore_mem>> -> memref<1x!tpu.dma_semaphore, #tpu.memory_space<semaphore_mem>>
      %dma_wait3A_416 = tpu.memref_squeeze %dma_wait3A_415 : memref<1x!tpu.dma_semaphore, #tpu.memory_space<semaphore_mem>> -> memref<!tpu.dma_semaphore, #tpu.memory_space<semaphore_mem>>
      tpu.wait_indirect_dma semaphore(%dma_wait3A_416 : memref<!tpu.dma_semaphore, #tpu.memory_space<semaphore_mem>>) src(%dma_wait3A_414 : memref<100000x64xf32, #tpu.memory_space<hbm>>) dst(%dma_wait3A_411 : memref<800x64xf32, #tpu.memory_space<vmem>>)
      %add3A_417 = arith.constant 2 : i32
      %add3A_418 = arith.addi %add3A_319, %add3A_417 : i32
      %lt3A_419 = arith.constant 32 : i32
      %lt3A_420 = arith.cmpi slt, %add3A_418, %lt3A_419 : i32
      %convert_element_type3A_421 = arith.extui %lt3A_420 : i1 to i32
      %cond3A_422 = arith.constant 0 : i32
      %cond3A_423 = arith.cmpi ne, %convert_element_type3A_421, %cond3A_422 : i32
      scf.if %cond3A_423 {
        %add3A_442 = arith.constant 2 : i32
        %add3A_443 = arith.addi %add3A_320, %add3A_442 : i32
        %mul3A_444 = arith.constant 4 : i32
        %mul3A_445 = arith.muli %mul3A_444, %add3A_443 : i32
        %add3A_446 = arith.constant 0 : i32
        %add3A_447 = arith.addi %mul3A_445, %add3A_446 : i32
        %dma_start3A_448 = arith.constant 1 : i32
        %dma_start3A_449 = arith.constant 0 : i32
        %dma_start3A_450 = tpu.memref_slice %arg6[%dma_start3A_449] : memref<800xi32, #tpu.memory_space<vmem>> -> memref<200xi32, #tpu.memory_space<vmem>>
        %dma_start3A_451 = arith.constant 0 : i32
        %dma_start3A_452 = tpu.memref_slice %arg2[%add3A_447, %dma_start3A_451] : memref<4096x200xi32, #tpu.memory_space<hbm>> -> memref<1x200xi32, #tpu.memory_space<hbm>>
        %dma_start3A_453 = tpu.memref_squeeze %dma_start3A_452 : memref<1x200xi32, #tpu.memory_space<hbm>> -> memref<200xi32, #tpu.memory_space<hbm>>
        %dma_start3A_454 = tpu.memref_slice %arg8[%dma_start3A_448] : memref<2x!tpu.dma_semaphore, #tpu.memory_space<semaphore_mem>> -> memref<1x!tpu.dma_semaphore, #tpu.memory_space<semaphore_mem>>
        %dma_start3A_455 = tpu.memref_squeeze %dma_start3A_454 : memref<1x!tpu.dma_semaphore, #tpu.memory_space<semaphore_mem>> -> memref<!tpu.dma_semaphore, #tpu.memory_space<semaphore_mem>>
        %dma_start3A_456 = arith.constant 0 : i32
        %dma_start3A_457 = tpu.memref_slice %arg6[%dma_start3A_456] : memref<800xi32, #tpu.memory_space<vmem>> -> memref<200xi32, #tpu.memory_space<vmem>>
        %dma_start3A_458 = arith.constant 0 : i32
        %dma_start3A_459 = tpu.memref_slice %arg2[%add3A_447, %dma_start3A_458] : memref<4096x200xi32, #tpu.memory_space<hbm>> -> memref<1x200xi32, #tpu.memory_space<hbm>>
        %dma_start3A_460 = tpu.memref_squeeze %dma_start3A_459 : memref<1x200xi32, #tpu.memory_space<hbm>> -> memref<200xi32, #tpu.memory_space<hbm>>
        tpu.enqueue_dma source(%dma_start3A_460 : memref<200xi32, #tpu.memory_space<hbm>>) target(%dma_start3A_457 : memref<200xi32, #tpu.memory_space<vmem>>) target_semaphore(%dma_start3A_455 : memref<!tpu.dma_semaphore, #tpu.memory_space<semaphore_mem>>)
        %mul3A_461 = arith.constant 4 : i32
        %mul3A_462 = arith.muli %mul3A_461, %add3A_443 : i32
        %add3A_463 = arith.constant 1 : i32
        %add3A_464 = arith.addi %mul3A_462, %add3A_463 : i32
        %dma_start3A_465 = arith.constant 1 : i32
        %dma_start3A_466 = arith.constant 200 : i32
        %dma_start3A_467 = tpu.memref_slice %arg6[%dma_start3A_466] : memref<800xi32, #tpu.memory_space<vmem>> -> memref<200xi32, #tpu.memory_space<vmem>>
        %dma_start3A_468 = arith.constant 0 : i32
        %dma_start3A_469 = tpu.memref_slice %arg2[%add3A_464, %dma_start3A_468] : memref<4096x200xi32, #tpu.memory_space<hbm>> -> memref<1x200xi32, #tpu.memory_space<hbm>>
        %dma_start3A_470 = tpu.memref_squeeze %dma_start3A_469 : memref<1x200xi32, #tpu.memory_space<hbm>> -> memref<200xi32, #tpu.memory_space<hbm>>
        %dma_start3A_471 = tpu.memref_slice %arg8[%dma_start3A_465] : memref<2x!tpu.dma_semaphore, #tpu.memory_space<semaphore_mem>> -> memref<1x!tpu.dma_semaphore, #tpu.memory_space<semaphore_mem>>
        %dma_start3A_472 = tpu.memref_squeeze %dma_start3A_471 : memref<1x!tpu.dma_semaphore, #tpu.memory_space<semaphore_mem>> -> memref<!tpu.dma_semaphore, #tpu.memory_space<semaphore_mem>>
        %dma_start3A_473 = arith.constant 200 : i32
        %dma_start3A_474 = tpu.memref_slice %arg6[%dma_start3A_473] : memref<800xi32, #tpu.memory_space<vmem>> -> memref<200xi32, #tpu.memory_space<vmem>>
        %dma_start3A_475 = arith.constant 0 : i32
        %dma_start3A_476 = tpu.memref_slice %arg2[%add3A_464, %dma_start3A_475] : memref<4096x200xi32, #tpu.memory_space<hbm>> -> memref<1x200xi32, #tpu.memory_space<hbm>>
        %dma_start3A_477 = tpu.memref_squeeze %dma_start3A_476 : memref<1x200xi32, #tpu.memory_space<hbm>> -> memref<200xi32, #tpu.memory_space<hbm>>
        tpu.enqueue_dma source(%dma_start3A_477 : memref<200xi32, #tpu.memory_space<hbm>>) target(%dma_start3A_474 : memref<200xi32, #tpu.memory_space<vmem>>) target_semaphore(%dma_start3A_472 : memref<!tpu.dma_semaphore, #tpu.memory_space<semaphore_mem>>)
        %mul3A_478 = arith.constant 4 : i32
        %mul3A_479 = arith.muli %mul3A_478, %add3A_443 : i32
        %add3A_480 = arith.constant 2 : i32
        %add3A_481 = arith.addi %mul3A_479, %add3A_480 : i32
        %dma_start3A_482 = arith.constant 1 : i32
        %dma_start3A_483 = arith.constant 400 : i32
        %dma_start3A_484 = tpu.memref_slice %arg6[%dma_start3A_483] : memref<800xi32, #tpu.memory_space<vmem>> -> memref<200xi32, #tpu.memory_space<vmem>>
        %dma_start3A_485 = arith.constant 0 : i32
        %dma_start3A_486 = tpu.memref_slice %arg2[%add3A_481, %dma_start3A_485] : memref<4096x200xi32, #tpu.memory_space<hbm>> -> memref<1x200xi32, #tpu.memory_space<hbm>>
        %dma_start3A_487 = tpu.memref_squeeze %dma_start3A_486 : memref<1x200xi32, #tpu.memory_space<hbm>> -> memref<200xi32, #tpu.memory_space<hbm>>
        %dma_start3A_488 = tpu.memref_slice %arg8[%dma_start3A_482] : memref<2x!tpu.dma_semaphore, #tpu.memory_space<semaphore_mem>> -> memref<1x!tpu.dma_semaphore, #tpu.memory_space<semaphore_mem>>
        %dma_start3A_489 = tpu.memref_squeeze %dma_start3A_488 : memref<1x!tpu.dma_semaphore, #tpu.memory_space<semaphore_mem>> -> memref<!tpu.dma_semaphore, #tpu.memory_space<semaphore_mem>>
        %dma_start3A_490 = arith.constant 400 : i32
        %dma_start3A_491 = tpu.memref_slice %arg6[%dma_start3A_490] : memref<800xi32, #tpu.memory_space<vmem>> -> memref<200xi32, #tpu.memory_space<vmem>>
        %dma_start3A_492 = arith.constant 0 : i32
        %dma_start3A_493 = tpu.memref_slice %arg2[%add3A_481, %dma_start3A_492] : memref<4096x200xi32, #tpu.memory_space<hbm>> -> memref<1x200xi32, #tpu.memory_space<hbm>>
        %dma_start3A_494 = tpu.memref_squeeze %dma_start3A_493 : memref<1x200xi32, #tpu.memory_space<hbm>> -> memref<200xi32, #tpu.memory_space<hbm>>
        tpu.enqueue_dma source(%dma_start3A_494 : memref<200xi32, #tpu.memory_space<hbm>>) target(%dma_start3A_491 : memref<200xi32, #tpu.memory_space<vmem>>) target_semaphore(%dma_start3A_489 : memref<!tpu.dma_semaphore, #tpu.memory_space<semaphore_mem>>)
        %mul3A_495 = arith.constant 4 : i32
        %mul3A_496 = arith.muli %mul3A_495, %add3A_443 : i32
        %add3A_497 = arith.constant 3 : i32
        %add3A_498 = arith.addi %mul3A_496, %add3A_497 : i32
        %dma_start3A_499 = arith.constant 1 : i32
        %dma_start3A_500 = arith.constant 600 : i32
        %dma_start3A_501 = tpu.memref_slice %arg6[%dma_start3A_500] : memref<800xi32, #tpu.memory_space<vmem>> -> memref<200xi32, #tpu.memory_space<vmem>>
        %dma_start3A_502 = arith.constant 0 : i32
        %dma_start3A_503 = tpu.memref_slice %arg2[%add3A_498, %dma_start3A_502] : memref<4096x200xi32, #tpu.memory_space<hbm>> -> memref<1x200xi32, #tpu.memory_space<hbm>>
        %dma_start3A_504 = tpu.memref_squeeze %dma_start3A_503 : memref<1x200xi32, #tpu.memory_space<hbm>> -> memref<200xi32, #tpu.memory_space<hbm>>
        %dma_start3A_505 = tpu.memref_slice %arg8[%dma_start3A_499] : memref<2x!tpu.dma_semaphore, #tpu.memory_space<semaphore_mem>> -> memref<1x!tpu.dma_semaphore, #tpu.memory_space<semaphore_mem>>
        %dma_start3A_506 = tpu.memref_squeeze %dma_start3A_505 : memref<1x!tpu.dma_semaphore, #tpu.memory_space<semaphore_mem>> -> memref<!tpu.dma_semaphore, #tpu.memory_space<semaphore_mem>>
        %dma_start3A_507 = arith.constant 600 : i32
        %dma_start3A_508 = tpu.memref_slice %arg6[%dma_start3A_507] : memref<800xi32, #tpu.memory_space<vmem>> -> memref<200xi32, #tpu.memory_space<vmem>>
        %dma_start3A_509 = arith.constant 0 : i32
        %dma_start3A_510 = tpu.memref_slice %arg2[%add3A_498, %dma_start3A_509] : memref<4096x200xi32, #tpu.memory_space<hbm>> -> memref<1x200xi32, #tpu.memory_space<hbm>>
        %dma_start3A_511 = tpu.memref_squeeze %dma_start3A_510 : memref<1x200xi32, #tpu.memory_space<hbm>> -> memref<200xi32, #tpu.memory_space<hbm>>
        tpu.enqueue_dma source(%dma_start3A_511 : memref<200xi32, #tpu.memory_space<hbm>>) target(%dma_start3A_508 : memref<200xi32, #tpu.memory_space<vmem>>) target_semaphore(%dma_start3A_506 : memref<!tpu.dma_semaphore, #tpu.memory_space<semaphore_mem>>)
      } else {
      }
      %mul3A_424 = arith.constant 800 : i32
      %mul3A_425 = arith.muli %mul3A_424, %add3A_320 : i32
      %dma_start3A_426 = arith.constant 1 : i32
      %dma_start3A_427 = arith.constant 1 : i32
      %dma_start3A_428 = arith.constant 0 : i32
      %dma_start3A_429 = arith.constant 0 : i32
      %dma_start3A_430 = tpu.memref_slice %arg7[%dma_start3A_426, %dma_start3A_428, %dma_start3A_429] : memref<2x800x64xf32, #tpu.memory_space<vmem>> -> memref<1x800x64xf32, #tpu.memory_space<vmem>>
      %dma_start3A_431 = tpu.memref_squeeze %dma_start3A_430 : memref<1x800x64xf32, #tpu.memory_space<vmem>> -> memref<800x64xf32, #tpu.memory_space<vmem>>
      %dma_start3A_432 = arith.constant 0 : i32
      %dma_start3A_433 = tpu.memref_slice %arg4[%mul3A_425, %dma_start3A_432] : memref<819200x128xf32, #tpu.memory_space<hbm>> -> memref<800x64xf32, #tpu.memory_space<hbm>>
      %dma_start3A_434 = tpu.memref_slice %arg10[%dma_start3A_427] : memref<2x!tpu.dma_semaphore, #tpu.memory_space<semaphore_mem>> -> memref<1x!tpu.dma_semaphore, #tpu.memory_space<semaphore_mem>>
      %dma_start3A_435 = tpu.memref_squeeze %dma_start3A_434 : memref<1x!tpu.dma_semaphore, #tpu.memory_space<semaphore_mem>> -> memref<!tpu.dma_semaphore, #tpu.memory_space<semaphore_mem>>
      %dma_start3A_436 = arith.constant 0 : i32
      %dma_start3A_437 = tpu.memref_slice %arg4[%mul3A_425, %dma_start3A_436] : memref<819200x128xf32, #tpu.memory_space<hbm>> -> memref<800x64xf32, #tpu.memory_space<hbm>>
      %dma_start3A_438 = arith.constant 0 : i32
      %dma_start3A_439 = arith.constant 0 : i32
      %dma_start3A_440 = tpu.memref_slice %arg7[%dma_start3A_426, %dma_start3A_438, %dma_start3A_439] : memref<2x800x64xf32, #tpu.memory_space<vmem>> -> memref<1x800x64xf32, #tpu.memory_space<vmem>>
      %dma_start3A_441 = tpu.memref_squeeze %dma_start3A_440 : memref<1x800x64xf32, #tpu.memory_space<vmem>> -> memref<800x64xf32, #tpu.memory_space<vmem>>
      tpu.enqueue_dma source(%dma_start3A_441 : memref<800x64xf32, #tpu.memory_space<vmem>>) target(%dma_start3A_437 : memref<800x64xf32, #tpu.memory_space<hbm>>) target_semaphore(%dma_start3A_435 : memref<!tpu.dma_semaphore, #tpu.memory_space<semaphore_mem>>)
    }
    %scan3A_146 = arith.constant 16 : i32
    %add3A_147 = arith.constant 32 : i32
    %add3A_148 = arith.addi %mul3A_2, %add3A_147 : i32
    %sub3A = arith.constant 2 : i32
    %sub3A_149 = arith.subi %add3A_148, %sub3A : i32
    %add3A_150 = arith.constant 0 : i32
    %add3A_151 = arith.addi %sub3A_149, %add3A_150 : i32
    %mul3A_152 = arith.constant 800 : i32
    %mul3A_153 = arith.muli %mul3A_152, %add3A_151 : i32
    %dma_wait3A = arith.constant 0 : i32
    %dma_wait3A_154 = arith.constant 0 : i32
    %dma_wait3A_155 = arith.constant 0 : i32
    %dma_wait3A_156 = arith.constant 0 : i32
    %dma_wait3A_157 = tpu.memref_slice %arg7[%dma_wait3A, %dma_wait3A_155, %dma_wait3A_156] : memref<2x800x64xf32, #tpu.memory_space<vmem>> -> memref<1x800x64xf32, #tpu.memory_space<vmem>>
    %dma_wait3A_158 = tpu.memref_squeeze %dma_wait3A_157 : memref<1x800x64xf32, #tpu.memory_space<vmem>> -> memref<800x64xf32, #tpu.memory_space<vmem>>
    %dma_wait3A_159 = arith.constant 0 : i32
    %dma_wait3A_160 = tpu.memref_slice %arg4[%mul3A_153, %dma_wait3A_159] : memref<819200x128xf32, #tpu.memory_space<hbm>> -> memref<800x64xf32, #tpu.memory_space<hbm>>
    %dma_wait3A_161 = tpu.memref_slice %arg10[%dma_wait3A_154] : memref<2x!tpu.dma_semaphore, #tpu.memory_space<semaphore_mem>> -> memref<1x!tpu.dma_semaphore, #tpu.memory_space<semaphore_mem>>
    %dma_wait3A_162 = tpu.memref_squeeze %dma_wait3A_161 : memref<1x!tpu.dma_semaphore, #tpu.memory_space<semaphore_mem>> -> memref<!tpu.dma_semaphore, #tpu.memory_space<semaphore_mem>>
    %dma_wait3A_163 = arith.constant 0 : i32
    %dma_wait3A_164 = tpu.memref_slice %arg4[%mul3A_153, %dma_wait3A_163] : memref<819200x128xf32, #tpu.memory_space<hbm>> -> memref<800x64xf32, #tpu.memory_space<hbm>>
    %dma_wait3A_165 = arith.constant 0 : i32
    %dma_wait3A_166 = arith.constant 0 : i32
    %dma_wait3A_167 = tpu.memref_slice %arg7[%dma_wait3A, %dma_wait3A_165, %dma_wait3A_166] : memref<2x800x64xf32, #tpu.memory_space<vmem>> -> memref<1x800x64xf32, #tpu.memory_space<vmem>>
    %dma_wait3A_168 = tpu.memref_squeeze %dma_wait3A_167 : memref<1x800x64xf32, #tpu.memory_space<vmem>> -> memref<800x64xf32, #tpu.memory_space<vmem>>
    tpu.wait_dma2 semaphore(%dma_wait3A_162 : memref<!tpu.dma_semaphore, #tpu.memory_space<semaphore_mem>>) src(%dma_wait3A_168 : memref<800x64xf32, #tpu.memory_space<vmem>>) dst(%dma_wait3A_164 : memref<800x64xf32, #tpu.memory_space<hbm>>)
    %add3A_169 = arith.constant 32 : i32
    %add3A_170 = arith.addi %mul3A_2, %add3A_169 : i32
    %sub3A_171 = arith.constant 2 : i32
    %sub3A_172 = arith.subi %add3A_170, %sub3A_171 : i32
    %add3A_173 = arith.constant 1 : i32
    %add3A_174 = arith.addi %sub3A_172, %add3A_173 : i32
    %mul3A_175 = arith.constant 800 : i32
    %mul3A_176 = arith.muli %mul3A_175, %add3A_174 : i32
    %dma_wait3A_177 = arith.constant 1 : i32
    %dma_wait3A_178 = arith.constant 1 : i32
    %dma_wait3A_179 = arith.constant 0 : i32
    %dma_wait3A_180 = arith.constant 0 : i32
    %dma_wait3A_181 = tpu.memref_slice %arg7[%dma_wait3A_177, %dma_wait3A_179, %dma_wait3A_180] : memref<2x800x64xf32, #tpu.memory_space<vmem>> -> memref<1x800x64xf32, #tpu.memory_space<vmem>>
    %dma_wait3A_182 = tpu.memref_squeeze %dma_wait3A_181 : memref<1x800x64xf32, #tpu.memory_space<vmem>> -> memref<800x64xf32, #tpu.memory_space<vmem>>
    %dma_wait3A_183 = arith.constant 0 : i32
    %dma_wait3A_184 = tpu.memref_slice %arg4[%mul3A_176, %dma_wait3A_183] : memref<819200x128xf32, #tpu.memory_space<hbm>> -> memref<800x64xf32, #tpu.memory_space<hbm>>
    %dma_wait3A_185 = tpu.memref_slice %arg10[%dma_wait3A_178] : memref<2x!tpu.dma_semaphore, #tpu.memory_space<semaphore_mem>> -> memref<1x!tpu.dma_semaphore, #tpu.memory_space<semaphore_mem>>
    %dma_wait3A_186 = tpu.memref_squeeze %dma_wait3A_185 : memref<1x!tpu.dma_semaphore, #tpu.memory_space<semaphore_mem>> -> memref<!tpu.dma_semaphore, #tpu.memory_space<semaphore_mem>>
    %dma_wait3A_187 = arith.constant 0 : i32
    %dma_wait3A_188 = tpu.memref_slice %arg4[%mul3A_176, %dma_wait3A_187] : memref<819200x128xf32, #tpu.memory_space<hbm>> -> memref<800x64xf32, #tpu.memory_space<hbm>>
    %dma_wait3A_189 = arith.constant 0 : i32
    %dma_wait3A_190 = arith.constant 0 : i32
    %dma_wait3A_191 = tpu.memref_slice %arg7[%dma_wait3A_177, %dma_wait3A_189, %dma_wait3A_190] : memref<2x800x64xf32, #tpu.memory_space<vmem>> -> memref<1x800x64xf32, #tpu.memory_space<vmem>>
    %dma_wait3A_192 = tpu.memref_squeeze %dma_wait3A_191 : memref<1x800x64xf32, #tpu.memory_space<vmem>> -> memref<800x64xf32, #tpu.memory_space<vmem>>
    tpu.wait_dma2 semaphore(%dma_wait3A_186 : memref<!tpu.dma_semaphore, #tpu.memory_space<semaphore_mem>>) src(%dma_wait3A_192 : memref<800x64xf32, #tpu.memory_space<vmem>>) dst(%dma_wait3A_188 : memref<800x64xf32, #tpu.memory_space<hbm>>)
    return
  }
}

</mosaic_0001>

<sc_bundles>
// kernel: _embed.3.cloned.1.call-start
scs
__scs_entry_jumppad:
0x0: {  	(pc) =	sbr.rel $0x88, $3  }
0x1: {  	(tag) =	ssettag $0x0;
	lr =	simm.s32 $0x1  }
0x2: {  	[smem:$0x3F9F] =	sst lr;
	_ =	strace $0xD0000000  }
0x3: {  	_ = 	snop  }
0x4: {  	_ = 	snop  }
0x5: {  	_ = 	snop  }
0x6: {  	_ = 	snop  }
0x7: {  	_ = 	snop  }
__scs_overlays_trampoline_lowered:
0x8: {  	[smem:$0x3FAE] =	sst s0  }
0x9: {  	[smem:$0x3FAF] =	sst s1  }
0xa: {  	[smem:$0x3FB0] =	sst s2  }
0xb: {  	[smem:$0x3FB1] =	sst s3  }
0xc: {  	[smem:$0x3FB2] =	sst s4  }
0xd: {  	[smem:$0x3FB3] =	sst s5  }
0xe: {  	[smem:$0x3FB4] =	sst s6  }
0xf: {  	[smem:$0x3FB5] =	sst s7  }
0x10: {  	[smem:$0x3FB6] =	sst s8  }
0x11: {  	[smem:$0x3FB7] =	sst s9;
	s0 =	simm.s32 @!p0 $0x0  }
0x12: {  	s1 =	sld [smem:$0x3F9D];
	s0 =	simm.s32 @p0 $0x1  }
0x13: {  	[smem:$0x3FB8] =	sst s0;
	s0 =	simm.s32 @!p1 $0x0  }
0x14: {  	s2 =	sld [smem:$0x3F9C];
	s0 =	simm.s32 @p1 $0x1  }
0x15: {  	[smem:$0x3FB9] =	sst s0;
	s0 =	simm.s32 @!p2 $0x0  }
0x16: {  	s3 =	sld [smem:$0x3FDB];
	s0 =	simm.s32 @p2 $0x1  }
0x17: {  	s4 =	simm.s32 $0x1BF5;
	[smem:$0x3FBB] =	sst s0  }
0x18: {  	s0 =	sld [smem:$0x3F9E];
	_ =	swait.ge [sflag:s4], $0x0  }
0x19: {  	s7 =	sld [smem:$0x3F9F]  }
0x1a: {  	s8 =	sadd.s32 $0xFFFFE003, lr  }
0x1b: {  	s9 =	sadd.s32 $0xFFFFFEF7, lr;
	s5 =	simm.s32 $0xFFFFFFFF;
	p2 =	slt.u32 s8, $0xFFFFF086  }
0x1c: {  	p1 =	slt.u32 s9, $0xF7A;
	s5 =	simm.s32 @!p2 $0x0  }
0x1d: {  	s5 =	simm.s32 @p1 $0x1;
	p0 =	seq.s32 s7, s2  }
0x1e: {  	s7 =	smul.u32 @!p0 $0xF7A, s2;
	p2 =	seq.s32 @!p0 s5, $0x0  }
0x1f: {  	s9 =	smul.u32 $0xF7A, s1;
	s8 =	simm.s32 @!p0 $0x1BF5;
	p2 =	por !p2, p0  }
0x20: {  	[sflag:s8] =	ssyncset.s32 @!p0 $0xFFFFF086;
	s6 =	sadd.s32 @!p0 s3, s7;
	s7 =	simm.s32 @!p0 $0x108  }
0x21: {  	s3 =	sadd.s32 s3, s9;
	s6 =	sadd.s32 @!p0 $0x88, s6;
	s7 =	simm.s32 @p2 $0x1082  }
0x22: {  	[simem:s7], [sflag:s8] =	dma.local @!p0 [hbm:s6], $0xF7A  }
0x23: {  	s9 =	sor.u32 $0xD0000000, s2;
	s6 =	simm.s32 $0x108;
	_ =	swait.ge @!p0 [sflag:s8], $0x0  }
0x24: {  	s3 =	sadd.s32 $0x88, s3;
	s6 =	simm.s32 @!p1 $0x1082;
	[sflag:s4] =	ssyncset.s32 $0xFFFFF086  }
0x25: {  	[simem:s6], [sflag:s4] =	dma.local [hbm:s3], $0xF7A  }
0x26: {  	[smem:$0x3F9F] =	sst s1;
	(tag) =	ssettag s2;
	_ =	strace s9  }
0x27: {  	s1 =	sld [smem:$0x3FAF]  }
0x28: {  	s2 =	sld [smem:$0x3FB0]  }
0x29: {  	s4 =	sld [smem:$0x3FB2]  }
0x2a: {  	p0 =	seq.s32 s5, $0x0;
	s5 =	sld [smem:$0x3FB3]  }
0x2b: {  	s6 =	sld [smem:$0x3FB4]  }
0x2c: {  	s7 =	sld [smem:$0x3FB5]  }
0x2d: {  	s3 =	simm.s32 $0x108;
	s8 =	sld [smem:$0x3FB6]  }
0x2e: {  	s3 =	simm.s32 @!p0 $0x1082;
	s9 =	sld [smem:$0x3FB7]  }
0x2f: {  	lr =	sadd.s32 s0, s3;
	s0 =	sld [smem:$0x3FAE]  }
0x30: {  	s3 =	sld [smem:$0x3FB1]  }
0x31: {  	[smem:$0x3FBA] =	sst s10  }
0x32: {  	s10 =	sld [smem:$0x3FB8];
	_ =	sdelay $0x3  }
0x33: {  	p0 =	seq.s32 s10, $0x1;
	s10 =	sld [smem:$0x3FBA];
	_ =	sdelay $0x3  }
0x34: {  	[smem:$0x3FBA] =	sst s10  }
0x35: {  	s10 =	sld [smem:$0x3FB9];
	_ =	sdelay $0x3  }
0x36: {  	p1 =	seq.s32 s10, $0x1;
	s10 =	sld [smem:$0x3FBA];
	_ =	sdelay $0x3  }
0x37: {  	[smem:$0x3FBA] =	sst s10  }
0x38: {  	s10 =	sld [smem:$0x3FBB]  }
0x39: {  	_ = 	snop;
	(pc) =	sbr.ind lr, $3  }
0x3a: {  	_ = 	snop  }
0x3b: {  	_ = 	snop  }
0x3c: {  	p2 =	seq.s32 s10, $0x1;
	s10 =	sld [smem:$0x3FBA]  }
0x3d: {  	_ =	shalt  }
0x3e: {  	_ =	shalt  }
0x3f: {  	_ =	shalt  }
0x40: {  	_ =	shalt  }
0x41: {  	_ =	shalt  }
0x42: {  	_ =	shalt  }
0x43: {  	_ =	shalt  }
0x44: {  	_ =	shalt  }
0x45: {  	_ =	shalt  }
0x46: {  	_ =	shalt  }
0x47: {  	_ =	shalt  }
0x48: {  	_ =	shalt  }
0x49: {  	_ =	shalt  }
0x4a: {  	_ =	shalt  }
0x4b: {  	_ =	shalt  }
0x4c: {  	_ =	shalt  }
0x4d: {  	_ =	shalt  }
0x4e: {  	_ =	shalt  }
0x4f: {  	_ =	shalt  }
0x50: {  	_ =	shalt  }
0x51: {  	_ =	shalt  }
0x52: {  	_ =	shalt  }
0x53: {  	_ =	shalt  }
0x54: {  	_ =	shalt  }
0x55: {  	_ =	shalt  }
0x56: {  	_ =	shalt  }
0x57: {  	_ =	shalt  }
0x58: {  	_ =	shalt  }
0x59: {  	_ =	shalt  }
0x5a: {  	_ =	shalt  }
0x5b: {  	_ =	shalt  }
0x5c: {  	_ =	shalt  }
0x5d: {  	_ =	shalt  }
0x5e: {  	_ =	shalt  }
0x5f: {  	_ =	shalt  }
0x60: {  	_ =	shalt  }
0x61: {  	_ =	shalt  }
0x62: {  	_ =	shalt  }
0x63: {  	_ =	shalt  }
0x64: {  	_ =	shalt  }
0x65: {  	_ =	shalt  }
0x66: {  	_ =	shalt  }
0x67: {  	_ =	shalt  }
0x68: {  	_ =	shalt  }
0x69: {  	_ =	shalt  }
0x6a: {  	_ =	shalt  }
0x6b: {  	_ =	shalt  }
0x6c: {  	_ =	shalt  }
0x6d: {  	_ =	shalt  }
0x6e: {  	_ =	shalt  }
0x6f: {  	_ =	shalt  }
0x70: {  	_ =	shalt  }
0x71: {  	_ =	shalt  }
0x72: {  	_ =	shalt  }
0x73: {  	_ =	shalt  }
0x74: {  	_ =	shalt  }
0x75: {  	_ =	shalt  }
0x76: {  	_ =	shalt  }
0x77: {  	_ =	shalt  }
0x78: {  	_ =	shalt  }
0x79: {  	_ =	shalt  }
0x7a: {  	_ =	shalt  }
0x7b: {  	_ =	shalt  }
0x7c: {  	_ =	shalt  }
0x7d: {  	_ =	shalt  }
0x7e: {  	_ =	shalt  }
0x7f: {  	_ =	shalt  }
0x80: {  	_ =	shalt  }
0x81: {  	_ =	shalt  }
0x82: {  	_ =	shalt  }
0x83: {  	_ =	shalt  }
0x84: {  	_ =	shalt  }
0x85: {  	_ =	shalt  }
0x86: {  	_ =	shalt  }
0x87: {  	_ =	shalt  }
.Lfunc_end0:
.L_simem_size_0:
called_computation.1_lowered:
.L_overlay_start_0:
0x88: {  	s2 =	sld [smem:$0x3FD9]  }
0x89: {  	s3 =	sld [smem:$0x3FFE];
	_ =	sdelay $0x1  }
0x8a: {  	s1 =	srdreg.scid  }
0x8b: {  	s0 =	sand.u32 $0x1, s1  }
0x8c: {  	s16 =	sshll.u32 s0, $0xA;
	s2 =	sadd.s32 s3, s2  }
0x8d: {  	s2 =	sadd.s32 s2, s16  }
0x8e: {  	[smem:$0x3FC6] =	sst s2  }
0x8f: {  	_ = 	snop  }
0x90: {  	(tm) =	ssettm $0x1  }
0x91: {  	s17 =	sld [smem:$0x3FFB];
	_ =	sdelay $0x3  }
0x92: {  	_ =	strace s17  }
0x93: {  	s2 =	sld [smem:$0x3FFC];
	_ =	sdelay $0x3  }
0x94: {  	_ =	strace s2  }
0x95: {  	s2 =	sld [smem:$0x3FFD];
	_ =	sdelay $0x3  }
0x96: {  	_ =	strace s2  }
0x97: {  	_ =	strace $0x8FFFFFFF  }
0x98: {  	s18 =	sld [smem:$0x3FDB];
	_ =	sdelay $0x1  }
0x99: {  	s19 =	simm.s32 $_scs_section_size  }
0x9a: {  	s4 =	simm.s32 $_size__tile_overlayer_lowered;
	s5 =	simm.s32 $_tile_overlayer_lowered  }
0x9b: {  	s22 =	simm.s32 $0x1BFF;
	s21 =	sshll.u32 s5, $0x1;
	s2 =	sadd.s32 s19, s18  }
0x9c: {  	s6 =	simm.s32 $0x0;
	s20 =	sshll.u32 s4, $0x1;
	s4 =	sadd.s32 s21, s2  }
0x9d: {  	[timem:s6], [sflag:s22] =	dma.local [hbm:s4], s20  }
0x9e: {  	_ =	swait.ge [sflag:s22], s20  }
0x9f: {  	s3 =	ssub.s32 $0x0, s20;
	[sflag:s22] =	ssyncset.done $0x0  }
0xa0: {  	[sflag:s22] =	ssyncadd.s32 s3;
	_ =	sdelay $0x1  }
0xa1: {  	s23 =	simm.s32 $0x1B8B  }
0xa2: {  	_ =	swait.ge [sflag:s23], $0x1  }
0xa3: {  	[sflag:s23] =	ssyncset.done $0x0  }
0xa4: {  	s25 =	simm.s32 $0x1B8E;
	s24 =	sld [smem:$0x3FFE];
	[sflag:s23] =	ssyncadd.s32 $0xFFFFFFFF  }
0xa5: {  	s26 =	simm.s32 $execute0_lowered;
	[smem:$0x3FD2] =	sst s25  }
0xa6: {  	s4 =	sshll.u32 s26, $0x1;
	_ =	strace $0x80000046;
	[dreg:$0x1] =	wrdreg $0xFFFFFFFF  }
0xa7: {  	s28 =	simm.s32 $_size_execute0_lowered;
	s2 =	sadd.s32 s2, s4;
	[dreg:$0x0] =	wrdreg $0x0  }
0xa8: {  	s4 =	sshll.u32 s28, $0x1;
	[dreg:$0x2] =	wrdreg s2  }
0xa9: {  	[dreg:$0x3] =	wrdreg s4  }
0xaa: {  	[dreg:$0x4] =	wrdreg $0xC0  }
0xab: {  	_ =	task [dreg:s6], $0x5FFFF  }
0xac: {  	[dreg:$0x1] =	wrdreg $0xFFFFFFFF  }
0xad: {  	[dreg:$0x0] =	wrdreg $0x60  }
0xae: {  	[dreg:$0x2] =	wrdreg s24  }
0xaf: {  	[dreg:$0x3] =	wrdreg $0x9  }
0xb0: {  	_ =	task.clear_ibuf [dreg:s6], $0x4FFFF;
	_ =	strace $0x90000046  }
0xb1: {  	s29 =	simm.s32 $0x9;
	_ =	strace $0x80000048  }
0xb2: {  	_ =	swait.ge [sflag:s29], $0x1  }
0xb3: {  	[sflag:s29] =	ssyncadd.s32 $0xFFFFFFFF  }
0xb4: {  	_ =	strace $0x90000048  }
0xb5: {  	_ =	sfence  }
0xb6: {  	s30 =	sld [smem:$0x0];
	_ =	sdelay $0x2  }
0xb7: {  	s31 =	sshll.u32 s1, $0xD;
	s1 =	sshrl.u32 s1, $0x2  }
0xb8: {  	s3 =	sand.u32 $0x4000, s31;
	s1 =	sadd.s32 s1, s30  }
0xb9: {  	s0 =	sor.u32 s3, s0;
	s1 =	sshll.u32 s1, $0x11  }
0xba: {  	s0 =	sor.u32 s1, s0  }
0xbb: {  	s0 =	sadd.s32 $0x8F2B, s0  }
0xbc: {  	[sflag:s0] =	ssyncadd.remote.s32 $0x1  }
0xbd: {  	_ =	sfence.sel $0xFFFF  }
0xbe: {  	[dreg:$0x0] =	wrdreg $0xFFFFFFFF;
	(pc) =	sbr.abs _section_cstart, $3  }
0xbf: {  	[dreg:$0x1] =	wrdreg $0xFFFFFFFF  }
0xc0: {  	_ =	task.clear_ibuf [dreg:s6], $0x2FFFF;
	_ =	strace $0x9FFFFFFF  }
0xc1: {  	(tm) =	ssettm $0x7FFFFFFF  }
tec
execute0_lowered:
.L_overlay_start_1:
0x0: {  	(tag) =	ssettag $0x1  }
0x1: {  	s0 =	rddreg [dreg:$0x0];
	s9 =	stileid.u32  }
0x2: {  	s1 =	srdreg.scid;
	s2 =	simm.s32 $0x0;
	s28 =	simm.s32 $0x80  }
0x3: {  	s29 =	simm.s32 $0x2;
	s30 =	simm.s32 $0xCE40;
	s31 =	simm.s32 $0x4  }
0x4: {  	s1 =	sand.u32 $0x1, s1;
	s3 =	sshll.u32 s9, $0x1;
	s5 =	smul.u32 $0xC8000, s9  }
0x5: {  	[smem:$0x7FF] =	sst s2;
	s4 =	sadd.s32 $0x19800, s0;
	s9 =	smul.u32 $0xC800, s9  }
0x6: {  	s6 =	sor.u32 s1, s3;
	_ =	strace $0x80000047;
	s25 =	smul.u32 $0x6400, s1  }
0x7: {  	s3 =	sadd.s32 $0x800, s0;
	s8 =	ssub.s32 $0x2, s1;
	s1 =	smul.u32 $0x64000, s1  }
0x8: {  	s7 =	smul.u32 $0xC80, s6;
	s0 =	sadd.s32 s5, s0;
	s24 =	sshrl.u32 s8, $0x1  }
0x9: {  	s6 =	smul.u32 $0x6400, s6;
	s8 =	ssub.s32 s8, s24;
	s0 =	sadd.s32 s1, s0  }
0xa: {  	s1 =	simm.s32 $0x6;
	s5 =	sadd.s32 s3, s7;
	s8 =	smax.u32 s8, $0x1  }
0xb: {  	s7 =	sadd.s32 s25, s9;
	s10 =	sadd.s32 $0x19, s5;
	[dreg:$0x10] =	wrdreg s8  }
0xc: {  	s26 =	sadd.s32 $0x32, s5;
	s11 =	sadd.s32 $0x4B, s5;
	[dreg:$0x9] =	wrdreg s10  }
0xd: {  	s12 =	sadd.s32 $0x64, s5;
	s13 =	sadd.s32 $0x7D, s5;
	[dreg:$0xa] =	wrdreg s26  }
0xe: {  	s16 =	sadd.s32 $0xAF0, s7;
	s18 =	sadd.s32 $0xA28, s7;
	[dreg:$0xb] =	wrdreg s11  }
0xf: {  	s21 =	sadd.s32 $0x898, s7;
	s22 =	sadd.s32 $0x7D0, s7;
	[dreg:$0xc] =	wrdreg s12  }
0x10: {  	s23 =	sadd.s32 $0x708, s7;
	s11 =	sshrl.u32 s6, $0x3;
	[dreg:$0xd] =	wrdreg s13  }
0x11: {  	s12 =	sadd.s32 $0xBB8, s7;
	s6 =	sadd.s32 $0x578, s6;
	s17 =	sshrl.u32 s16, $0x3  }
0x12: {  	s13 =	sadd.s32 $0x960, s7;
	s8 =	sshrl.u32 s22, $0x3;
	s25 =	sshrl.u32 s23, $0x3  }
0x13: {  	s23 =	simm.s32 $0x1;
	s16 =	simm.s32 $0x0;
	s14 =	sadd.s32 s3, s11  }
0x14: {  	s15 =	sshrl.u32 s12, $0x3;
	s6 =	sshrl.u32 s6, $0x3;
	s24 =	sadd.s32 s8, s3  }
0x15: {  	s12 =	sshrl.u32 s18, $0x3;
	s26 =	sadd.s32 s25, s3;
	[dreg:$0x7] =	wrdreg s24  }
0x16: {  	s13 =	sshrl.u32 s13, $0x3;
	s9 =	sadd.s32 $0x96, s14;
	[dreg:$0x8] =	wrdreg s26  }
0x17: {  	s25 =	simm.s32 $0x3;
	s6 =	sadd.s32 s3, s6;
	[dreg:$0xe] =	wrdreg s9  }
0x18: {  	s19 =	sadd.s32 s12, s3;
	s20 =	sadd.s32 s13, s3;
	[dreg:$0xf] =	wrdreg s6  }
0x19: {  	s24 =	simm.s32 $0x640;
	s26 =	simm.s32 $0x40;
	[dreg:$0x4] =	wrdreg s19  }
0x1a: {  	s9 =	sadd.s32 s15, s3;
	[dreg:$0x5] =	wrdreg s20;
	s6 =	sshrl.u32 s21, $0x3  }
0x1b: {  	s15 =	sadd.s32 $0x640, s7;
	[dreg:$0x2] =	wrdreg s9;
	s9 =	sadd.s32 s17, s3  }
0x1c: {  	s19 =	simm.s32 $0x320;
	s6 =	sadd.s32 s6, s3;
	[dreg:$0x3] =	wrdreg s9  }
0x1d: {  	[dreg:$0x6] =	wrdreg s6;
	s6 =	sadd.s32 $0xE0000, s0;
	s0 =	simm.s32 $0x5  }
.LBB2_1:
0x1e: {  	[tilespmem:s2], [sflag:$0x1] =	stream.linear.gather [hbm4b:s5+s2], $0xC8, $0x38;
	[tilespmem:$0x19640] =	vst v63  }
0x1f: {  	s7 =	rddreg [dreg:$0x9];
	s8 =	simm.s32 $0xC8  }
0x20: {  	[tilespmem:s8], [sflag:$0x1] =	stream.linear.gather [hbm4b:s7+s2], $0xC8, $0x38;
	[tilespmem:$0x19640] =	vst v63  }
0x21: {  	s9 =	simm.s32 $0x190;
	s8 =	rddreg [dreg:$0xa]  }
0x22: {  	[tilespmem:s9], [sflag:$0x1] =	stream.linear.gather [hbm4b:s8+s2], $0xC8, $0x38;
	[tilespmem:$0x19640] =	vst v63  }
0x23: {  	s10 =	rddreg [dreg:$0xb];
	s11 =	simm.s32 $0x258  }
0x24: {  	[tilespmem:s11], [sflag:$0x1] =	stream.linear.gather [hbm4b:s10+s2], $0xC8, $0x38;
	[tilespmem:$0x19640] =	vst v63  }
0x25: {  	s12 =	rddreg [dreg:$0xc]  }
0x26: {  	[tilespmem:s19], [sflag:$0x2] =	stream.linear.gather [hbm4b:s12+s2], $0xC8, $0x38;
	[tilespmem:$0x19640] =	vst v63  }
0x27: {  	s13 =	rddreg [dreg:$0xd];
	s14 =	simm.s32 $0x3E8;
	p0 =	por $0x1, $0x1  }
0x28: {  	[tilespmem:s14], [sflag:$0x2] =	stream.linear.gather [hbm4b:s13+s2], $0xC8, $0x38;
	[tilespmem:$0x19640] =	vst v63  }
0x29: {  	s17 =	rddreg [dreg:$0xe];
	s18 =	simm.s32 $0x4B0;
	p0 =	por p0, p0  }
0x2a: {  	[tilespmem:s18], [sflag:$0x2] =	stream.linear.gather [hbm4b:s17+s2], $0xC8, $0x38;
	[tilespmem:$0x19640] =	vst v63  }
0x2b: {  	s20 =	rddreg [dreg:$0xf];
	s21 =	simm.s32 $0x578;
	s7 =	simm.s32 @!p0 $0x5  }
0x2c: {  	[tilespmem:s21], [sflag:$0x2] =	stream.linear.gather [hbm4b:s20+s2], $0xC8, $0x38;
	[tilespmem:$0x19640] =	vst v63  }
0x2d: {  	_ =	swait.ge @!p0 [sflag:s7], $0xC800  }
0x2e: {  	[sflag:s7] =	ssyncset.done @!p0 $0x0  }
0x2f: {  	[sflag:s7] =	ssyncadd.s32 @!p0 $0xFFFF3800  }
0x30: {  	_ =	swait.ge [sflag:s23], $0xC8  }
0x31: {  	[sflag:s23] =	ssyncset.done $0x0  }
0x32: {  	[sflag:s23] =	ssyncadd.s32 $0xFFFFFF38  }
0x33: {  	_ =	swait.ge [sflag:s23], $0xC8  }
0x34: {  	[sflag:s23] =	ssyncset.done $0x0  }
0x35: {  	[sflag:s23] =	ssyncadd.s32 $0xFFFFFF38  }
0x36: {  	_ =	swait.ge [sflag:s23], $0xC8  }
0x37: {  	[sflag:s23] =	ssyncset.done $0x0  }
0x38: {  	[sflag:s23] =	ssyncadd.s32 $0xFFFFFF38  }
0x39: {  	_ =	swait.ge [sflag:s23], $0xC8  }
0x3a: {  	[sflag:s23] =	ssyncset.done $0x0  }
0x3b: {  	[sflag:s23] =	ssyncadd.s32 $0xFFFFFF38  }
0x3c: {  	[tilespmem:s24], [sflag:$0x3] =	stream.indirect.gather [hbm4b:s4+s19], $0x40, s2, s19, $0xb8;
	[tilespmem:$0x19640] =	vst v63  }
0x3d: {  	p1 =	por $0x0, $0x0;
	_ =	swait.ge [sflag:s25], $0xC800  }
0x3e: {  	s21 =	simm.s32 @!p1 $0x0;
	s7 =	sshrl.u32 @!p1 s15, $0x3;
	[sflag:s25] =	ssyncset.done $0x0  }
0x3f: {  	s7 =	sadd.s32 @!p1 s3, s7;
	s8 =	rddreg [dreg:$0x8];
	[sflag:s25] =	ssyncadd.s32 $0xFFFF3800  }
0x40: {  	[tilespmem:s21], [sflag:$0x1] =	stream.linear.gather @!p1 [hbm4b:s7+s21], $0xC8, $0x38;
	[tilespmem:$0x19640] =	vst v63  }
0x41: {  	s9 =	rddreg [dreg:$0x7];
	s7 =	sadd.s32 @!p1 $0x0, s8;
	s8 =	simm.s32 @!p1 $0xC8  }
0x42: {  	[tilespmem:s8], [sflag:$0x1] =	stream.linear.gather @!p1 [hbm4b:s7+s21], $0xC8, $0x38;
	[tilespmem:$0x19640] =	vst v63  }
0x43: {  	s14 =	rddreg [dreg:$0x6];
	s7 =	sadd.s32 @!p1 $0x0, s9;
	s8 =	simm.s32 @!p1 $0x190  }
0x44: {  	[tilespmem:s8], [sflag:$0x1] =	stream.linear.gather @!p1 [hbm4b:s7+s21], $0xC8, $0x38;
	[tilespmem:$0x19640] =	vst v63  }
0x45: {  	s7 =	sadd.s32 @!p1 $0x0, s14;
	s8 =	simm.s32 @!p1 $0x258  }
0x46: {  	[tilespmem:s8], [sflag:$0x1] =	stream.linear.gather @!p1 [hbm4b:s7+s21], $0xC8, $0x38;
	[tilespmem:$0x19640] =	vst v63  }
0x47: {  	s22 =	sadd.s32 $0xFFFFCE00, s6;
	s8 =	simm.s32 @!p0 $0x6  }
0x48: {  	[hbm4b:s22+s26] =	stream.strided.scatter [tilespmem:s24], [sflag:$0x5], $0xC800, s28, s26, $0x38;
	[tilespmem:$0x19640] =	vst v63  }
0x49: {  	_ =	swait.ge @!p0 [sflag:s8], $0xC800  }
0x4a: {  	[sflag:s8] =	ssyncset.done @!p0 $0x0  }
0x4b: {  	[sflag:s8] =	ssyncadd.s32 @!p0 $0xFFFF3800  }
0x4c: {  	_ =	swait.ge [sflag:s29], $0xC8  }
0x4d: {  	[sflag:s29] =	ssyncset.done $0x0  }
0x4e: {  	[sflag:s29] =	ssyncadd.s32 $0xFFFFFF38  }
0x4f: {  	_ =	swait.ge [sflag:s29], $0xC8  }
0x50: {  	[sflag:s29] =	ssyncset.done $0x0  }
0x51: {  	[sflag:s29] =	ssyncadd.s32 $0xFFFFFF38  }
0x52: {  	_ =	swait.ge [sflag:s29], $0xC8  }
0x53: {  	[sflag:s29] =	ssyncset.done $0x0  }
0x54: {  	[sflag:s29] =	ssyncadd.s32 $0xFFFFFF38  }
0x55: {  	_ =	swait.ge [sflag:s29], $0xC8  }
0x56: {  	p6 =	por $0x0, $0x0;
	s17 =	simm.s32 $0xC8;
	[sflag:s29] =	ssyncset.done $0x0  }
0x57: {  	s18 =	sadd.s32 $0x6400, s6;
	s20 =	sadd.s32 $0x640, s15;
	[sflag:s29] =	ssyncadd.s32 $0xFFFFFF38  }
0x58: {  	[tilespmem:s30], [sflag:$0x4] =	stream.indirect.gather [hbm4b:s4+s19], $0x40, s19, s19, $0xb8;
	[tilespmem:$0x19640] =	vst v63  }
0x59: {  	s14 =	simm.s32 @!p1 $0x320;
	s22 =	simm.s32 $0x190;
	_ =	swait.ge [sflag:s31], $0xC800  }
0x5a: {  	p0 =	por p6, p6;
	s7 =	rddreg [dreg:$0x5];
	[sflag:s31] =	ssyncset.done $0x0  }
0x5b: {  	s8 =	rddreg [dreg:$0x4];
	[sflag:s31] =	ssyncadd.s32 $0xFFFF3800;
	s7 =	sadd.s32 @!p1 $0x0, s7  }
0x5c: {  	[tilespmem:s14], [sflag:$0x2] =	stream.linear.gather @!p1 [hbm4b:s7+s21], $0xC8, $0x38;
	[tilespmem:$0x19640] =	vst v63  }
0x5d: {  	s9 =	rddreg [dreg:$0x3];
	s8 =	sadd.s32 @!p1 $0x0, s8;
	s14 =	simm.s32 @!p1 $0x3E8  }
0x5e: {  	[tilespmem:s14], [sflag:$0x2] =	stream.linear.gather @!p1 [hbm4b:s8+s21], $0xC8, $0x38;
	[tilespmem:$0x19640] =	vst v63  }
0x5f: {  	s9 =	sadd.s32 @!p1 $0x0, s9;
	s7 =	rddreg [dreg:$0x2];
	s8 =	simm.s32 @!p1 $0x4B0  }
0x60: {  	[tilespmem:s8], [sflag:$0x2] =	stream.linear.gather @!p1 [hbm4b:s9+s21], $0xC8, $0x38;
	[tilespmem:$0x19640] =	vst v63  }
0x61: {  	s14 =	smov.u32 s6;
	s8 =	sadd.s32 @!p1 $0x0, s7;
	s9 =	simm.s32 @!p1 $0x578  }
.LBB2_2:
0x62: {  	[tilespmem:s9], [sflag:$0x2] =	stream.linear.gather @!p1 [hbm4b:s8+s21], $0xC8, $0x38;
	[tilespmem:$0x19640] =	vst v63  }
0x63: {  	s8 =	simm.s32 @!p0 $0x5  }
0x64: {  	[hbm4b:s14+s26] =	stream.strided.scatter [tilespmem:s30], [sflag:$0x6], $0xC800, s28, s26, $0x38;
	[tilespmem:$0x19640] =	vst v63  }
0x65: {  	_ =	swait.ge @!p0 [sflag:s8], $0xC800  }
0x66: {  	[sflag:s8] =	ssyncset.done @!p0 $0x0  }
0x67: {  	[sflag:s8] =	ssyncadd.s32 @!p0 $0xFFFF3800  }
0x68: {  	_ =	swait.ge [sflag:s23], $0xC8  }
0x69: {  	[sflag:s23] =	ssyncset.done $0x0  }
0x6a: {  	[sflag:s23] =	ssyncadd.s32 $0xFFFFFF38  }
0x6b: {  	_ =	swait.ge [sflag:s23], $0xC8  }
0x6c: {  	[sflag:s23] =	ssyncset.done $0x0  }
0x6d: {  	[sflag:s23] =	ssyncadd.s32 $0xFFFFFF38  }
0x6e: {  	_ =	swait.ge [sflag:s23], $0xC8  }
0x6f: {  	[sflag:s23] =	ssyncset.done $0x0  }
0x70: {  	[sflag:s23] =	ssyncadd.s32 $0xFFFFFF38  }
0x71: {  	_ =	swait.ge [sflag:s23], $0xC8  }
0x72: {  	[sflag:s23] =	ssyncset.done $0x0  }
0x73: {  	[sflag:s23] =	ssyncadd.s32 $0xFFFFFF38  }
0x74: {  	[tilespmem:s24], [sflag:$0x3] =	stream.indirect.gather [hbm4b:s4+s19], $0x40, s2, s19, $0xb8;
	[tilespmem:$0x19640] =	vst v63  }
0x75: {  	p1 =	seq.s32 s17, $0xBB8;
	_ =	swait.ge [sflag:s25], $0xC800  }
0x76: {  	s21 =	simm.s32 @!p1 $0x0;
	s8 =	sshrl.u32 @!p1 s20, $0x3;
	[sflag:s25] =	ssyncset.done $0x0  }
0x77: {  	s8 =	sadd.s32 @!p1 s3, s8;
	s10 =	rddreg [dreg:$0x8];
	[sflag:s25] =	ssyncadd.s32 $0xFFFF3800  }
0x78: {  	[tilespmem:s21], [sflag:$0x1] =	stream.linear.gather @!p1 [hbm4b:s8+s21], $0xC8, $0x38;
	[tilespmem:$0x19640] =	vst v63  }
0x79: {  	s9 =	rddreg [dreg:$0x7];
	s8 =	sadd.s32 @!p1 s17, s10;
	s10 =	simm.s32 @!p1 $0xC8  }
0x7a: {  	[tilespmem:s10], [sflag:$0x1] =	stream.linear.gather @!p1 [hbm4b:s8+s21], $0xC8, $0x38;
	[tilespmem:$0x19640] =	vst v63  }
0x7b: {  	s11 =	rddreg [dreg:$0x6];
	s8 =	sadd.s32 @!p1 s17, s9;
	s9 =	simm.s32 @!p1 $0x190  }
0x7c: {  	[tilespmem:s9], [sflag:$0x1] =	stream.linear.gather @!p1 [hbm4b:s8+s21], $0xC8, $0x38;
	[tilespmem:$0x19640] =	vst v63  }
0x7d: {  	s8 =	sadd.s32 @!p1 s17, s11;
	s9 =	simm.s32 @!p1 $0x258  }
0x7e: {  	[tilespmem:s9], [sflag:$0x1] =	stream.linear.gather @!p1 [hbm4b:s8+s21], $0xC8, $0x38;
	[tilespmem:$0x19640] =	vst v63  }
0x7f: {  	s13 =	sadd.s32 $0xFFFFCE00, s18;
	s9 =	simm.s32 @!p0 $0x6  }
0x80: {  	[hbm4b:s13+s26] =	stream.strided.scatter [tilespmem:s24], [sflag:$0x5], $0xC800, s28, s26, $0x38;
	[tilespmem:$0x19640] =	vst v63  }
0x81: {  	_ =	swait.ge @!p0 [sflag:s9], $0xC800  }
0x82: {  	[sflag:s9] =	ssyncset.done @!p0 $0x0  }
0x83: {  	[sflag:s9] =	ssyncadd.s32 @!p0 $0xFFFF3800  }
0x84: {  	_ =	swait.ge [sflag:s29], $0xC8  }
0x85: {  	[sflag:s29] =	ssyncset.done $0x0  }
0x86: {  	[sflag:s29] =	ssyncadd.s32 $0xFFFFFF38  }
0x87: {  	_ =	swait.ge [sflag:s29], $0xC8  }
0x88: {  	[sflag:s29] =	ssyncset.done $0x0  }
0x89: {  	[sflag:s29] =	ssyncadd.s32 $0xFFFFFF38  }
0x8a: {  	_ =	swait.ge [sflag:s29], $0xC8  }
0x8b: {  	[sflag:s29] =	ssyncset.done $0x0  }
0x8c: {  	[sflag:s29] =	ssyncadd.s32 $0xFFFFFF38  }
0x8d: {  	_ =	swait.ge [sflag:s29], $0xC8  }
0x8e: {  	s7 =	smov.u32 s22;
	s22 =	sadd.s32 $0xC8, s22;
	[sflag:s29] =	ssyncset.done $0x0  }
0x8f: {  	p3 =	seq.s32 s7, $0x0;
	p2 =	sne.s32 s22, $0xC80;
	[sflag:s29] =	ssyncadd.s32 $0xFFFFFF38  }
0x90: {  	[tilespmem:s30], [sflag:$0x4] =	stream.indirect.gather [hbm4b:s4+s19], $0x40, s19, s19, $0xb8;
	[tilespmem:$0x19640] =	vst v63  }
0x91: {  	s12 =	simm.s32 @!p1 $0x320;
	s14 =	smov.u32 s18;
	_ =	swait.ge [sflag:s31], $0xC800  }
0x92: {  	s18 =	sadd.s32 $0x6400, s18;
	s20 =	sadd.s32 $0x640, s20;
	s8 =	rddreg [dreg:$0x5]  }
0x93: {  	s11 =	simm.s32 @!p1 $0x4B0;
	[sflag:s31] =	ssyncset.done $0x0;
	s9 =	rddreg [dreg:$0x4]  }
0x94: {  	s10 =	rddreg [dreg:$0x3];
	[sflag:s31] =	ssyncadd.s32 $0xFFFF3800;
	s8 =	sadd.s32 @!p1 s17, s8  }
0x95: {  	[tilespmem:s12], [sflag:$0x2] =	stream.linear.gather @!p1 [hbm4b:s8+s21], $0xC8, $0x38;
	[tilespmem:$0x19640] =	vst v63  }
.Ltmp0:
0x96: {  	p0 =	por p3, p3;
	s13 =	rddreg [dreg:$0x2];
	(pc) =	sbr.rel @p2 .LBB2_2-.Ltmp0, $4  }
0x97: {  	s10 =	sadd.s32 @!p1 s17, s10;
	s8 =	sadd.s32 @!p1 s17, s9;
	s9 =	simm.s32 @!p1 $0x3E8  }
0x98: {  	[tilespmem:s9], [sflag:$0x2] =	stream.linear.gather @!p1 [hbm4b:s8+s21], $0xC8, $0x38;
	[tilespmem:$0x19640] =	vst v63  }
0x99: {  	s8 =	sadd.s32 @!p1 s17, s13;
	s9 =	simm.s32 @!p1 $0x578;
	s17 =	smov.u32 s7  }
0x9a: {  	[tilespmem:s11], [sflag:$0x2] =	stream.linear.gather @!p1 [hbm4b:s10+s21], $0xC8, $0x38;
	[tilespmem:$0x19640] =	vst v63  }
0x9b: {  	[tilespmem:s9], [sflag:$0x2] =	stream.linear.gather @!p1 [hbm4b:s8+s21], $0xC8, $0x38;
	[tilespmem:$0x19640] =	vst v63  }
0x9c: {  	s7 =	simm.s32 @!p0 $0x5  }
0x9d: {  	[hbm4b:s14+s26] =	stream.strided.scatter [tilespmem:s30], [sflag:$0x6], $0xC800, s28, s26, $0x38;
	[tilespmem:$0x19640] =	vst v63  }
0x9e: {  	_ =	swait.ge @!p0 [sflag:s7], $0xC800  }
0x9f: {  	[sflag:s7] =	ssyncset.done @!p0 $0x0  }
0xa0: {  	[sflag:s7] =	ssyncadd.s32 @!p0 $0xFFFF3800  }
0xa1: {  	_ =	swait.ge [sflag:s23], $0xC8  }
0xa2: {  	[sflag:s23] =	ssyncset.done $0x0  }
0xa3: {  	[sflag:s23] =	ssyncadd.s32 $0xFFFFFF38  }
0xa4: {  	_ =	swait.ge [sflag:s23], $0xC8  }
0xa5: {  	[sflag:s23] =	ssyncset.done $0x0  }
0xa6: {  	[sflag:s23] =	ssyncadd.s32 $0xFFFFFF38  }
0xa7: {  	_ =	swait.ge [sflag:s23], $0xC8  }
0xa8: {  	[sflag:s23] =	ssyncset.done $0x0  }
0xa9: {  	[sflag:s23] =	ssyncadd.s32 $0xFFFFFF38  }
0xaa: {  	_ =	swait.ge [sflag:s23], $0xC8  }
0xab: {  	[sflag:s23] =	ssyncset.done $0x0  }
0xac: {  	[sflag:s23] =	ssyncadd.s32 $0xFFFFFF38  }
0xad: {  	[tilespmem:s24], [sflag:$0x3] =	stream.indirect.gather [hbm4b:s4+s19], $0x40, s2, s19, $0xb8;
	[tilespmem:$0x19640] =	vst v63  }
0xae: {  	p1 =	seq.s32 s17, $0xBB8;
	_ =	swait.ge [sflag:s25], $0xC800  }
0xaf: {  	s10 =	simm.s32 @!p1 $0x0;
	s7 =	sshrl.u32 @!p1 s20, $0x3;
	[sflag:s25] =	ssyncset.done $0x0  }
0xb0: {  	s7 =	sadd.s32 @!p1 s3, s7;
	s8 =	rddreg [dreg:$0x8];
	[sflag:s25] =	ssyncadd.s32 $0xFFFF3800  }
0xb1: {  	[tilespmem:s10], [sflag:$0x1] =	stream.linear.gather @!p1 [hbm4b:s7+s10], $0xC8, $0x38;
	[tilespmem:$0x19640] =	vst v63  }
0xb2: {  	s9 =	rddreg [dreg:$0x7];
	s7 =	sadd.s32 @!p1 s17, s8;
	s8 =	simm.s32 @!p1 $0xC8  }
0xb3: {  	[tilespmem:s8], [sflag:$0x1] =	stream.linear.gather @!p1 [hbm4b:s7+s10], $0xC8, $0x38;
	[tilespmem:$0x19640] =	vst v63  }
0xb4: {  	s11 =	rddreg [dreg:$0x6];
	s7 =	sadd.s32 @!p1 s17, s9;
	s8 =	simm.s32 @!p1 $0x190  }
0xb5: {  	[tilespmem:s8], [sflag:$0x1] =	stream.linear.gather @!p1 [hbm4b:s7+s10], $0xC8, $0x38;
	[tilespmem:$0x19640] =	vst v63  }
0xb6: {  	s7 =	sadd.s32 @!p1 s17, s11;
	s8 =	simm.s32 @!p1 $0x258  }
0xb7: {  	[tilespmem:s8], [sflag:$0x1] =	stream.linear.gather @!p1 [hbm4b:s7+s10], $0xC8, $0x38;
	[tilespmem:$0x19640] =	vst v63  }
0xb8: {  	s21 =	sadd.s32 $0xFFFFCE00, s18;
	s8 =	simm.s32 @!p0 $0x6  }
0xb9: {  	[hbm4b:s21+s26] =	stream.strided.scatter [tilespmem:s24], [sflag:$0x5], $0xC800, s28, s26, $0x38;
	[tilespmem:$0x19640] =	vst v63  }
0xba: {  	_ =	swait.ge @!p0 [sflag:s8], $0xC800  }
0xbb: {  	[sflag:s8] =	ssyncset.done @!p0 $0x0  }
0xbc: {  	[sflag:s8] =	ssyncadd.s32 @!p0 $0xFFFF3800  }
0xbd: {  	_ =	swait.ge [sflag:s29], $0xC8  }
0xbe: {  	[sflag:s29] =	ssyncset.done $0x0  }
0xbf: {  	[sflag:s29] =	ssyncadd.s32 $0xFFFFFF38  }
0xc0: {  	_ =	swait.ge [sflag:s29], $0xC8  }
0xc1: {  	[sflag:s29] =	ssyncset.done $0x0  }
0xc2: {  	[sflag:s29] =	ssyncadd.s32 $0xFFFFFF38  }
0xc3: {  	_ =	swait.ge [sflag:s29], $0xC8  }
0xc4: {  	[sflag:s29] =	ssyncset.done $0x0  }
0xc5: {  	[sflag:s29] =	ssyncadd.s32 $0xFFFFFF38  }
0xc6: {  	_ =	swait.ge [sflag:s29], $0xC8  }
0xc7: {  	[sflag:s29] =	ssyncset.done $0x0  }
0xc8: {  	[sflag:s29] =	ssyncadd.s32 $0xFFFFFF38  }
0xc9: {  	[tilespmem:s30], [sflag:$0x4] =	stream.indirect.gather [hbm4b:s4+s19], $0x40, s19, s19, $0xb8;
	[tilespmem:$0x19640] =	vst v63  }
0xca: {  	_ =	swait.ge [sflag:s31], $0xC800  }
0xcb: {  	s11 =	simm.s32 @!p1 $0x320;
	s7 =	rddreg [dreg:$0x5];
	[sflag:s31] =	ssyncset.done $0x0  }
0xcc: {  	s8 =	rddreg [dreg:$0x4];
	[sflag:s31] =	ssyncadd.s32 $0xFFFF3800;
	s7 =	sadd.s32 @!p1 s17, s7  }
0xcd: {  	[tilespmem:s11], [sflag:$0x2] =	stream.linear.gather @!p1 [hbm4b:s7+s10], $0xC8, $0x38;
	[tilespmem:$0x19640] =	vst v63  }
0xce: {  	s9 =	rddreg [dreg:$0x3];
	s8 =	sadd.s32 @!p1 s17, s8;
	s11 =	simm.s32 @!p1 $0x3E8  }
0xcf: {  	[tilespmem:s11], [sflag:$0x2] =	stream.linear.gather @!p1 [hbm4b:s8+s10], $0xC8, $0x38;
	[tilespmem:$0x19640] =	vst v63  }
0xd0: {  	s9 =	sadd.s32 @!p1 s17, s9;
	s7 =	rddreg [dreg:$0x2];
	s8 =	simm.s32 @!p1 $0x4B0  }
0xd1: {  	[tilespmem:s8], [sflag:$0x2] =	stream.linear.gather @!p1 [hbm4b:s9+s10], $0xC8, $0x38;
	[tilespmem:$0x19640] =	vst v63  }
0xd2: {  	s7 =	sadd.s32 @!p1 s17, s7;
	s8 =	simm.s32 @!p1 $0x578  }
0xd3: {  	[tilespmem:s8], [sflag:$0x2] =	stream.linear.gather @!p1 [hbm4b:s7+s10], $0xC8, $0x38;
	[tilespmem:$0x19640] =	vst v63  }
0xd4: {  	_ = 	snop  }
0xd5: {  	[hbm4b:s18+s26] =	stream.strided.scatter [tilespmem:s30], [sflag:$0x6], $0xC800, s28, s26, $0x38;
	[tilespmem:$0x19640] =	vst v63  }
0xd6: {  	_ =	swait.ge [sflag:s0], $0xC800  }
0xd7: {  	[sflag:s0] =	ssyncset.done $0x0  }
0xd8: {  	[sflag:s0] =	ssyncadd.s32 $0xFFFF3800  }
0xd9: {  	_ =	swait.ge [sflag:s1], $0xC800  }
0xda: {  	s16 =	sadd.s32 $0x1, s16;
	s22 =	rddreg [dreg:$0x10]  }
0xdb: {  	p0 =	sne.s32 s16, s22  }
.Ltmp1:
0xdc: {  	_ = 	snop;
	(pc) =	sbr.rel @p0 .LBB2_1-.Ltmp1, $3  }
0xdd: {  	_ =	sdelay $0x1  }
0xde: {  	[sflag:s1] =	ssyncset.done $0x0  }
0xdf: {  	[sflag:s1] =	ssyncadd.s32 $0xFFFF3800  }
0xe0: {  	_ =	sfence.sel $0x180000  }
0xe1: {  	[bflag:$0x0] =	sbarrier.arrive $0xFFFF  }
0xe2: {  	_ =	strace $0x90000047  }
0xe3: {  	s0 =	stileid.u32;
	[bflag:$0x2] =	sbarrier.arrive $0xFFFF  }
0xe4: {  	p0 =	sne.s32 s0, $0x0;
	s0 =	rddreg [dreg:$0x1]  }
0xe5: {  	s0 =	sadd.s32 @!p0 $0x100000, s0  }
0xe6: {  	[sflag:s0] =	ssyncadd.tile.s32 @!p0 $0x1;
	_ =	shalt  }
.Lfunc_end2:
_tile_overlayer_lowered:
.L_overlay_start_2:
0xe7: {  	(tag) =	ssettag $0x2  }
0xe8: {  	s0 =	rddreg [dreg:$0x0];
	s2 =	stileid.u32  }
0xe9: {  	s1 =	rddreg [dreg:$0x1];
	p0 =	sne.s32 s2, $0x0  }
0xea: {  	s3 =	rddreg [dreg:$0x2];
	[bflag:$0x3] =	sbarrier.arrive $0xFFFF;
	s2 =	simm.s32 @!p0 $0x1C07  }
0xeb: {  	[timem:s3], [sflag:s2] =	dma.local @!p0 [hbm:s0], s1  }
0xec: {  	s0 =	simm.s32 @!p0 $0x7  }
0xed: {  	_ =	swait.ge @!p0 [sflag:s0], s1  }
0xee: {  	s1 =	ssub.s32 @!p0 $0x0, s1;
	[sflag:s0] =	ssyncset.done @!p0 $0x0  }
0xef: {  	[sflag:s0] =	ssyncadd.s32 @!p0 s1  }
0xf0: {  	[bflag:$0x3] =	sbarrier.arrive $0xFFFF  }
0xf1: {  	_ =	shalt  }

// kernel: sparse-core-data-format-call.cloned.1.call-start
scs
called_computation_lowered:
.L_overlay_start_0:
0x0: {  	s2 =	sld [smem:$0x3FD9]  }
0x1: {  	s3 =	sld [smem:$0x3FFE];
	_ =	sdelay $0x1  }
0x2: {  	s1 =	srdreg.scid  }
0x3: {  	s0 =	sand.u32 $0x1, s1  }
0x4: {  	s18 =	sshll.u32 s0, $0xA;
	s2 =	sadd.s32 s3, s2  }
0x5: {  	s2 =	sadd.s32 s2, s18  }
0x6: {  	[smem:$0x3FC6] =	sst s2  }
0x7: {  	_ = 	snop  }
0x8: {  	s2 =	sld [smem:$0x3FD0];
	(tm) =	ssettm $0x1  }
0x9: {  	s19 =	sld [smem:$0x3FFB];
	_ =	sdelay $0x3  }
0xa: {  	_ =	strace s19  }
0xb: {  	s3 =	sld [smem:$0x3FFC];
	_ =	sdelay $0x3  }
0xc: {  	_ =	strace s3  }
0xd: {  	s3 =	sld [smem:$0x3FFD];
	_ =	sdelay $0x3  }
0xe: {  	_ =	strace s3  }
0xf: {  	_ =	strace $0x8FFFFFFF  }
0x10: {  	s20 =	sld [smem:$0x3FDB];
	_ =	sdelay $0x1  }
0x11: {  	s4 =	simm.s32 $_scs_section_size  }
0x12: {  	s5 =	simm.s32 $_size__tile_overlayer_lowered;
	s6 =	simm.s32 $_tile_overlayer_lowered  }
0x13: {  	s23 =	simm.s32 $0x1BFF;
	s22 =	sshll.u32 s6, $0x1;
	s3 =	sadd.s32 s4, s20  }
0x14: {  	s7 =	simm.s32 $0x0;
	s21 =	sshll.u32 s5, $0x1;
	s5 =	sadd.s32 s22, s3  }
0x15: {  	[timem:s7], [sflag:s23] =	dma.local [hbm:s5], s21  }
0x16: {  	_ =	swait.ge [sflag:s23], s21  }
0x17: {  	s4 =	ssub.s32 $0x0, s21;
	[sflag:s23] =	ssyncset.done $0x0  }
0x18: {  	[sflag:s23] =	ssyncadd.s32 s4;
	_ =	sdelay $0x1  }
0x19: {  	s24 =	simm.s32 $0x1B8B  }
0x1a: {  	_ =	swait.ge [sflag:s24], $0x1  }
0x1b: {  	[sflag:s24] =	ssyncset.done $0x0  }
0x1c: {  	s26 =	simm.s32 $0x1B8E;
	s25 =	sld [smem:$0x3FFE];
	[sflag:s24] =	ssyncadd.s32 $0xFFFFFFFF  }
0x1d: {  	s27 =	simm.s32 $execute0_lowered;
	[smem:$0x3FD2] =	sst s26  }
0x1e: {  	s5 =	sshll.u32 s27, $0x1;
	_ =	strace $0x80000049;
	[dreg:$0x1] =	wrdreg $0xFFFFFFFF  }
0x1f: {  	s28 =	simm.s32 $_size_execute0_lowered;
	s3 =	sadd.s32 s3, s5;
	[dreg:$0x0] =	wrdreg $0x0  }
0x20: {  	s5 =	sshll.u32 s28, $0x1;
	[dreg:$0x2] =	wrdreg s3  }
0x21: {  	[dreg:$0x3] =	wrdreg s5  }
0x22: {  	[dreg:$0x4] =	wrdreg $0xC0  }
0x23: {  	_ =	task [dreg:s7], $0x5FFFF  }
0x24: {  	[dreg:$0x1] =	wrdreg $0xFFFFFFFF  }
0x25: {  	[dreg:$0x0] =	wrdreg $0x60  }
0x26: {  	[dreg:$0x2] =	wrdreg s25  }
0x27: {  	[dreg:$0x3] =	wrdreg s2  }
0x28: {  	[dreg:$0x4] =	wrdreg $0x9  }
0x29: {  	_ =	task.clear_ibuf [dreg:s7], $0x5FFFF;
	_ =	strace $0x90000049  }
0x2a: {  	s29 =	simm.s32 $0x9;
	_ =	strace $0x8000004B  }
0x2b: {  	_ =	swait.ge [sflag:s29], $0x1  }
0x2c: {  	[sflag:s29] =	ssyncadd.s32 $0xFFFFFFFF  }
0x2d: {  	_ =	strace $0x9000004B  }
0x2e: {  	_ =	sfence  }
0x2f: {  	s30 =	sld [smem:$0x0];
	_ =	sdelay $0x2  }
0x30: {  	s31 =	sshll.u32 s1, $0xD;
	s1 =	sshrl.u32 s1, $0x2  }
0x31: {  	s3 =	sand.u32 $0x4000, s31;
	s1 =	sadd.s32 s1, s30  }
0x32: {  	s0 =	sor.u32 s3, s0;
	s1 =	sshll.u32 s1, $0x11  }
0x33: {  	s0 =	sor.u32 s1, s0  }
0x34: {  	s0 =	sadd.s32 $0x8F2B, s0  }
0x35: {  	[sflag:s0] =	ssyncadd.remote.s32 $0x1  }
0x36: {  	_ =	sfence.sel $0xFFFF  }
0x37: {  	[dreg:$0x0] =	wrdreg $0xFFFFFFFF;
	(pc) =	sbr.abs _section_cstart, $3  }
0x38: {  	[dreg:$0x1] =	wrdreg $0xFFFFFFFF  }
0x39: {  	_ =	task.clear_ibuf [dreg:s7], $0x2FFFF;
	_ =	strace $0x9FFFFFFF  }
0x3a: {  	(tm) =	ssettm $0x7FFFFFFF  }
0x3b: {  	_ =	shalt  }
tec
execute0_lowered:
.L_overlay_start_1:
0x0: {  	(tag) =	ssettag $0x1  }
0x1: {  	s0 =	srdreg.scid  }
0x2: {  	s1 =	sshll.u32 s0, $0x4  }
0x3: {  	s0 =	stileid.u32;
	s1 =	sand.u32 $0x10, s1  }
0x4: {  	s1 =	sor.u32 s0, s1  }
0x5: {  	s6 =	rddreg [dreg:$0x0];
	s4 =	simm.s32 $0x1;
	s2 =	sshll.u32 s1, $0x7  }
0x6: {  	s7 =	simm.s32 $0x2;
	s12 =	simm.s32 $0x0;
	s1 =	ssub.s32 $0x1000, s2  }
0x7: {  	s8 =	simm.s32 $0x8000;
	s13 =	simm.s32 $0x0;
	s3 =	sand.u32 $0xF80, s1  }
0x8: {  	s9 =	simm.s32 $0x0;
	s5 =	sshrl.u32 s1, $0xC;
	p0 =	sne.s32 s3, $0x0  }
.Ltmp0:
0x9: {  	s1 =	rddreg [dreg:$0x2];
	s4 =	simm.s32 @!p0 $0x0;
	(pc) =	sbr.rel .LBB1_1-.Ltmp0, $4  }
0xa: {  	s11 =	simm.s32 $0x0;
	s3 =	rddreg [dreg:$0x1];
	s5 =	sadd.s32 s4, s5  }
0xb: {  	_ =	strace $0x8000004A;
	s4 =	simm.s32 $0x1;
	s5 =	smul.u32 $0xC8, s5  }
0xc: {  	s6 =	sadd.s32 $0xDCE00, s6;
	s10 =	smov.u32 s2;
	[sflag:s4] =	ssyncpa.u1 $0x0  }
0xd: {  	p0 =	por $0x0, $0x0;
	[sflag:s7] =	ssyncpa.u1 $0x0;
	s7 =	sor.u32 $0x1, s5  }
.LBB1_4:
0xe: {  	s16 =	sshll.u32 s13, $0x3;
	s17 =	sand.u32 $0x78, s13  }
0xf: {  	s30 =	sand.u32 $0x7E00, s13;
	s12 =	sshll.u32 s12, $0xF;
	s16 =	sand.u32 $0xC00, s16  }
0x10: {  	[tilespmem:s15+$0x810 ss:$0x81] =	vst.msk $0xffff, v2;
	s31 =	sand.u32 $0x7, s13;
	s16 =	sor.u32 s17, s16;
	s17 =	sadd.s32 s3, s30  }
0x11: {  	[tilespmem:s15+$0x1020 ss:$0x81] =	vst.msk $0xffff, v0;
	s13 =	sshll.u32 s31, $0x12;
	s12 =	sadd.s32 s12, s17;
	s16 =	sshrl.u32 s16, $0x3  }
0x12: {  	[tilespmem:s15+$0x0 ss:$0x81] =	vst.msk $0xffff, v1;
	s13 =	sor.u32 $0x400, s13;
	s12 =	sadd.s32 s16, s12  }
0x13: {  	[hbm4b:s12+s13] =	stream.strided.scatter [tilespmem:s14], [sflag:$0x2], $0x2000, s8, s13, $0x20;
	[tilespmem:$0x8080] =	vst v63  }
.LBB1_5:
0x14: {  	s14 =	sadd.s32 $0x1, s9  }
0x15: {  	s12 =	sadd.s32 $0x1000, s10;
	s16 =	smov.u32 s10;
	p2 =	sgt.s32 s14, $0xC7  }
0x16: {  	s16 =	smov.u32 @p2 s12  }
0x17: {  	s14 =	simm.s32 @p2 $0x0;
	p2 =	sgt.s32 s16, $0xFFF  }
0x18: {  	s16 =	smov.u32 @p2 s2;
	p2 =	sne.s32 s11, s7  }
.Ltmp1:
0x19: {  	p1 =	slt.u32 s11, $0x2;
	(pc) =	sbr.rel @!p2 .LBB1_6-.Ltmp1, $4  }
0x1a: {  	s15 =	simm.s32 @!p1 $0x2  }
0x1b: {  	s13 =	smov.u32 s10;
	p0 =	por !p0, !p0;
	_ =	swait.ge @!p1 [sflag:s15], $0x2000  }
0x1c: {  	s12 =	smov.u32 s9;
	[sflag:s15] =	ssyncset.done @!p1 $0x0;
	s9 =	smov.u32 s14  }
0x1d: {  	s11 =	sadd.s32 $0x1, s11;
	[sflag:s15] =	ssyncadd.s32 @!p1 $0xFFFFE000;
	s10 =	smov.u32 s16  }
.LBB1_1:
0x1e: {  	p1 =	sge.u32 s11, s5  }
0x1f: {  	s14 =	sand.u32 @!p1 $0x1FFFFFF, s9  }
0x20: {  	s15 =	smulhi.u32 @!p1 $0x147AE15, s14;
	_ =	sdelay $0x1  }
0x21: {  	s15 =	smul.u32 @!p1 $0xC8, s15  }
0x22: {  	s16 =	sxor.u32 @!p1 $0xFFFFFFFF, s11;
	s17 =	smul.u32 @!p1 $0xC80, s10  }
0x23: {  	s31 =	sadd.s32 $0xFFFFFFFF, s11;
	s16 =	sshll.u32 @!p1 s16, $0xD;
	s14 =	ssub.s32 @!p1 s14, s15  }
0x24: {  	s15 =	sand.u32 @!p1 $0x2000, s16;
	s16 =	sadd.s32 @!p1 s6, s17;
	s14 =	sshll.u32 @!p1 s14, $0x4  }
0x25: {  	s17 =	simm.s32 @!p1 $0x6400;
	s14 =	sadd.s32 @!p1 s14, s16;
	s16 =	simm.s32 @!p1 $0x40  }
0x26: {  	[tilespmem:s15], [sflag:$0x1] =	stream.strided.gather @!p1 [hbm4b:s14+s16], $0x2000, s17, s16, $0x38;
	[tilespmem:$0x8080] =	vst v63  }
0x27: {  	p1 =	sge.u32 s31, s5  }
.Ltmp2:
0x28: {  	_ = 	snop;
	(pc) =	sbr.rel @p1 .LBB1_5-.Ltmp2, $1  }
0x29: {  	_ =	sdelay $0x3  }
0x2a: {  	s14 =	simm.s32 $0x1  }
0x2b: {  	_ =	swait.ge [sflag:s4], $0x2000;
	s14 =	simm.s32 @!p0 $0x0  }
0x2c: {  	[sflag:s4] =	ssyncset.done $0x0;
	s15 =	sshll.u32 s14, $0xD  }
0x2d: {  	[sflag:s4] =	ssyncadd.s32 $0xFFFFE000;
	s18 =	sor.u32 $0x20, s15  }
0x2e: {  	s14 =	smul.u32 $0x8100, s14;
	v3 =	vld [tilespmem:s18+$0x10]  }
0x2f: {  	s30 =	sand.u32 $0x1, s11;
	v2 =	vld [tilespmem:s18+$0xFFFFFFF0]  }
0x30: {  	s15 =	smul.u32 $0x8100, s30;
	s14 =	sshrl.u32 s14, $0x2;
	v0 =	vld [tilespmem:s18+$0x0]  }
0x31: {  	v1 =	vld [tilespmem:s18+$0xFFFFFFE0];
	s16 =	sor.u32 $0x4000, s14  }
0x32: {  	s31 =	sshrl.u32 s15, $0x2;
	s15 =	sadd.s32 $0x0, s16  }
0x33: {  	s17 =	simm.s32 $0x4;
	s18 =	sadd.s32 $0x40, s18;
	s14 =	sor.u32 $0x4000, s31;
	[tilespmem:s15+$0x1830 ss:$0x81] =	vst.msk $0xffff, v3  }
.LBB1_3:
0x34: {  	v3 =	vld [tilespmem:s18+$0x10];
	p1 =	sne.s32 s17, $0x1FC;
	[tilespmem:s15+$0x810 ss:$0x81] =	vst.msk $0xffff, v2;
	s19 =	smov.u32 s17;
	s17 =	sadd.s32 $0x4, s17  }
.Ltmp3:
0x35: {  	v2 =	vld [tilespmem:s18+$0xFFFFFFF0];
	[tilespmem:s15+$0x1020 ss:$0x81] =	vst.msk $0xffff, v0;
	(pc) =	sbr.rel @p1 .LBB1_3-.Ltmp3, $4  }
0x36: {  	v0 =	vld [tilespmem:s18+$0x0];
	[tilespmem:s15+$0x0 ss:$0x81] =	vst.msk $0xffff, v1  }
0x37: {  	s15 =	sshra.s32 s19, $0x2;
	v1 =	vld [tilespmem:s18+$0xFFFFFFE0]  }
0x38: {  	s15 =	sadd.s32 s15, s16  }
0x39: {  	s18 =	sadd.s32 $0x40, s18;
	[tilespmem:s15+$0x1830 ss:$0x81] =	vst.msk $0xffff, v3  }
.Ltmp4:
0x3a: {  	_ = 	snop;
	(pc) =	sbr.rel .LBB1_4-.Ltmp4, $1  }
0x3b: {  	_ =	sdelay $0x3  }
.LBB1_6:
0x3c: {  	_ =	sfence.sel $0x180000  }
0x3d: {  	s2 =	simm.s32 $0x1;
	[bflag:$0x0] =	sbarrier.arrive $0xFFFF  }
0x3e: {  	s31 =	simm.s32 $0x2;
	[sflag:s2] =	ssyncpa.u1 $0x1  }
0x3f: {  	[sflag:s31] =	ssyncpa.u1 $0x1  }
0x40: {  	p0 =	sne.s32 s0, $0x0;
	_ =	strace $0x9000004A  }
0x41: {  	s0 =	sadd.s32 @!p0 $0x100000, s1;
	[bflag:$0x2] =	sbarrier.arrive $0xFFFF  }
0x42: {  	[sflag:s0] =	ssyncadd.tile.s32 @!p0 $0x1;
	_ =	shalt  }
.Lfunc_end1:
_tile_overlayer_lowered:
.L_overlay_start_2:
0x43: {  	(tag) =	ssettag $0x2  }
0x44: {  	s0 =	rddreg [dreg:$0x0];
	s2 =	stileid.u32  }
0x45: {  	s1 =	rddreg [dreg:$0x1];
	p0 =	sne.s32 s2, $0x0  }
0x46: {  	s3 =	rddreg [dreg:$0x2];
	[bflag:$0x3] =	sbarrier.arrive $0xFFFF;
	s2 =	simm.s32 @!p0 $0x1C01  }
0x47: {  	[timem:s3], [sflag:s2] =	dma.local @!p0 [hbm:s0], s1  }
0x48: {  	s0 =	simm.s32 @!p0 $0x1  }
0x49: {  	_ =	swait.ge @!p0 [sflag:s0], s1  }
0x4a: {  	s1 =	ssub.s32 @!p0 $0x0, s1;
	[sflag:s0] =	ssyncset.done @!p0 $0x0  }
0x4b: {  	[sflag:s0] =	ssyncadd.s32 @!p0 s1  }
0x4c: {  	[bflag:$0x3] =	sbarrier.arrive $0xFFFF  }
0x4d: {  	_ =	shalt  }

</sc_bundles>
